<compile_context>
chip_gen: v7x
topology: tpu7x:2x2x1
jax: 0.10.2.dev20260603
libtpu: 0.0.44.dev20260713+nightly
codegen_flags: <defaults>
</compile_context>

<pallas_src>
import functools

import jax
import jax.numpy as jnp
from jax import lax
from jax.experimental import pallas as pl
from jax.experimental.pallas import tpu as pltpu
from jax.experimental.pallas import tpu_sc as plsc

D = 128
B_TOTAL = 4096 * 50
NC, NS = 2, 16
NW = NC * NS
BPW = B_TOTAL // NW
CHUNK = 320
NCHUNK = BPW // CHUNK
NBUF = 3

_mesh = plsc.VectorSubcoreMesh(core_axis_name="c", subcore_axis_name="s")


@functools.partial(
    pl.kernel,
    out_type=jax.ShapeDtypeStruct((B_TOTAL, D), jnp.float32),
    mesh=_mesh,
    scratch_types=[
        pltpu.VMEM((BPW,), jnp.int32),
        pltpu.VMEM((NBUF, CHUNK, D), jnp.float32),
        [pltpu.SemaphoreType.DMA] * NBUF,
        [pltpu.SemaphoreType.DMA] * NBUF,
    ],
)
def _embed_gather(idx_hbm, table_hbm, out_hbm, idx_v, rows_v, gsems, ssems):
    wid = lax.axis_index("s") * NC + lax.axis_index("c")
    base = wid * BPW
    pltpu.sync_copy(idx_hbm.at[wid], idx_v)

    def drain_gather(b):
        pltpu.make_async_copy(
            table_hbm.at[pl.ds(0, CHUNK)], rows_v.at[b], gsems[b]
        ).wait()

    def drain_store(b):
        pltpu.make_async_copy(
            rows_v.at[b], out_hbm.at[pl.ds(base, CHUNK)], ssems[b]
        ).wait()

    def issue_gather(g, b):
        pltpu.async_copy(
            table_hbm.at[idx_v.at[pl.ds(g * CHUNK, CHUNK)]], rows_v.at[b], gsems[b]
        )

    def issue_store(g, b):
        pltpu.async_copy(
            rows_v.at[b], out_hbm.at[pl.ds(base + g * CHUNK, CHUNK)], ssems[b]
        )

    for b in range(NBUF - 1):
        issue_gather(b, b)

    MAIN = NCHUNK - NCHUNK % NBUF - NBUF

    @pl.loop(0, MAIN, step=NBUF)
    def _outer(go):
        for b in range(NBUF):
            g = go + b
            pb = (b - 1) % NBUF
            drain_gather(b)

            @pl.when(g > 0)
            def _():
                drain_store(pb)

            issue_gather(g + NBUF - 1, pb)
            issue_store(g, b)

    for g in range(MAIN, NCHUNK):
        b = g % NBUF
        pb = (b - 1) % NBUF
        drain_gather(b)
        if g > 0:
            drain_store(pb)
        if g + NBUF - 1 < NCHUNK:
            issue_gather(g + NBUF - 1, pb)
        issue_store(g, b)

    drain_store((NCHUNK - 1) % NBUF)


def kernel(x, table):
    idx = x.reshape(NW, BPW).astype(jnp.int32)
    out = _embed_gather(idx, table)
    return out.reshape(x.shape + (D,))

# --- scband reference (transcript-rebuilt; emitter-appended) ---
"""Pipeline reference for scband-embedding-layer-67997922230640 (READ-ONLY COPY).

The authoritative reference and input builder live on the scoring server;
editing this copy changes nothing except your own understanding.
"""

import jax, jax.numpy as jnp
import numpy as np

VOCAB_SIZE = 100000
EMBED_DIM = 128

def setup_inputs(seed: int = 0) -> dict:
    key = jax.random.key(seed)
    k1, k2 = jax.random.split(key)
    x = jax.random.randint(k1, (4096, 50), 0, VOCAB_SIZE, dtype=jnp.int64 if jax.config.jax_enable_x64 else jnp.int32)
    # nn.Embedding default init: N(0, 1)
    table = jax.random.normal(k2, (VOCAB_SIZE, EMBED_DIM), dtype=jnp.float32)
    return {"x": x, "table": table}

def reference(x, table):
    # Faithful to nn.Embedding forward: gather rows of the table by index.
    return jnp.take(table, x, axis=0)

if __name__ == "__main__":
    import jax
    _d = setup_inputs()
    print(jax.jit(kernel)(*tuple(_d.values())))

</pallas_src>

<mosaic_0001>
#map = affine_map<(d0, d1) -> (0, 0)>
module attributes {stable_mosaic.version = 14 : i64} {
  func.func @_embed_gather(%arg0: i32, %arg1: i32, %arg2: memref<32x6400xi32, #tpu.memory_space<hbm>>, %arg3: memref<100000x128xf32, #tpu.memory_space<hbm>>, %arg4: memref<204800x128xf32, #tpu.memory_space<hbm>>, %arg5: memref<6400xi32, #tpu.memory_space<vmem>>, %arg6: memref<3x320x128xf32, #tpu.memory_space<vmem>>, %arg7: memref<!tpu.dma_semaphore, #tpu.memory_space<semaphore_mem>>, %arg8: memref<!tpu.dma_semaphore, #tpu.memory_space<semaphore_mem>>, %arg9: memref<!tpu.dma_semaphore, #tpu.memory_space<semaphore_mem>>, %arg10: memref<!tpu.dma_semaphore, #tpu.memory_space<semaphore_mem>>, %arg11: memref<!tpu.dma_semaphore, #tpu.memory_space<semaphore_mem>>, %arg12: memref<!tpu.dma_semaphore, #tpu.memory_space<semaphore_mem>>) attributes {dimension_semantics = [#tpu.dimension_semantics<core_parallel>, #tpu.dimension_semantics<subcore_parallel>], iteration_bounds = array<i64: 2, 16>, scalar_prefetch = 0 : i64, scratch_operands = 8 : i64, tpu.core_type = #tpu.core_type<sc_vector_subcore>, window_params = [{transform_indices = #map}, {transform_indices = #map}, {transform_indices = #map}]} {
    %mul3A = arith.constant 2 : i32
    %mul3A_0 = arith.muli %arg1, %mul3A : i32
    %add3A = arith.addi %mul3A_0, %arg0 : i32
    %mul3A_1 = arith.constant 6400 : i32
    %mul3A_2 = arith.muli %add3A, %mul3A_1 : i32
    "tpu.region"() ({
      %run_scoped3A = tpu.sem_alloc : memref<!tpu.dma_semaphore, #tpu.memory_space<semaphore_mem>>
      %dma_start3A_283 = arith.constant 0 : i32
      %dma_start3A_284 = tpu.memref_slice %arg2[%add3A, %dma_start3A_283] : memref<32x6400xi32, #tpu.memory_space<hbm>> -> memref<1x6400xi32, #tpu.memory_space<hbm>>
      %dma_start3A_285 = tpu.memref_squeeze %dma_start3A_284 : memref<1x6400xi32, #tpu.memory_space<hbm>> -> memref<6400xi32, #tpu.memory_space<hbm>>
      %dma_start3A_286 = arith.constant 0 : i32
      %dma_start3A_287 = tpu.memref_slice %arg2[%add3A, %dma_start3A_286] : memref<32x6400xi32, #tpu.memory_space<hbm>> -> memref<1x6400xi32, #tpu.memory_space<hbm>>
      %dma_start3A_288 = tpu.memref_squeeze %dma_start3A_287 : memref<1x6400xi32, #tpu.memory_space<hbm>> -> memref<6400xi32, #tpu.memory_space<hbm>>
      tpu.enqueue_dma source(%dma_start3A_288 : memref<6400xi32, #tpu.memory_space<hbm>>) target(%arg5 : memref<6400xi32, #tpu.memory_space<vmem>>) target_semaphore(%run_scoped3A : memref<!tpu.dma_semaphore, #tpu.memory_space<semaphore_mem>>)
      %dma_wait3A_289 = arith.constant 0 : i32
      %dma_wait3A_290 = tpu.memref_slice %arg2[%add3A, %dma_wait3A_289] : memref<32x6400xi32, #tpu.memory_space<hbm>> -> memref<1x6400xi32, #tpu.memory_space<hbm>>
      %dma_wait3A_291 = tpu.memref_squeeze %dma_wait3A_290 : memref<1x6400xi32, #tpu.memory_space<hbm>> -> memref<6400xi32, #tpu.memory_space<hbm>>
      %dma_wait3A_292 = arith.constant 0 : i32
      %dma_wait3A_293 = tpu.memref_slice %arg2[%add3A, %dma_wait3A_292] : memref<32x6400xi32, #tpu.memory_space<hbm>> -> memref<1x6400xi32, #tpu.memory_space<hbm>>
      %dma_wait3A_294 = tpu.memref_squeeze %dma_wait3A_293 : memref<1x6400xi32, #tpu.memory_space<hbm>> -> memref<6400xi32, #tpu.memory_space<hbm>>
      tpu.wait_dma2 semaphore(%run_scoped3A : memref<!tpu.dma_semaphore, #tpu.memory_space<semaphore_mem>>) src(%dma_wait3A_294 : memref<6400xi32, #tpu.memory_space<hbm>>) dst(%arg5 : memref<6400xi32, #tpu.memory_space<vmem>>)
      tpu.yield
    }) : () -> ()
    %dma_start3A = arith.constant 0 : i32
    %dma_start3A_3 = arith.constant 0 : i32
    %dma_start3A_4 = arith.constant 0 : i32
    %dma_start3A_5 = tpu.memref_slice %arg6[%dma_start3A, %dma_start3A_3, %dma_start3A_4] : memref<3x320x128xf32, #tpu.memory_space<vmem>> -> memref<1x320x128xf32, #tpu.memory_space<vmem>>
    %dma_start3A_6 = tpu.memref_squeeze %dma_start3A_5 : memref<1x320x128xf32, #tpu.memory_space<vmem>> -> memref<320x128xf32, #tpu.memory_space<vmem>>
    %dma_start3A_7 = arith.constant 0 : i32
    %dma_start3A_8 = tpu.memref_slice %arg5[%dma_start3A_7] : memref<6400xi32, #tpu.memory_space<vmem>> -> memref<320xi32, #tpu.memory_space<vmem>>
    %dma_start3A_9 = arith.constant 0 : i32
    %dma_start3A_10 = arith.constant 0 : i32
    %dma_start3A_11 = tpu.memref_slice %arg3[%dma_start3A_9, %dma_start3A_10] : memref<100000x128xf32, #tpu.memory_space<hbm>> -> memref<100000x128xf32, #tpu.memory_space<hbm>>
    tpu.enqueue_indirect_dma source(%dma_start3A_11 : memref<100000x128xf32, #tpu.memory_space<hbm>>) target(%dma_start3A_6 : memref<320x128xf32, #tpu.memory_space<vmem>>) offsets(%dma_start3A_8 : memref<320xi32, #tpu.memory_space<vmem>>) semaphore(%arg7 : memref<!tpu.dma_semaphore, #tpu.memory_space<semaphore_mem>>)
    %dma_start3A_12 = arith.constant 1 : i32
    %dma_start3A_13 = arith.constant 0 : i32
    %dma_start3A_14 = arith.constant 0 : i32
    %dma_start3A_15 = tpu.memref_slice %arg6[%dma_start3A_12, %dma_start3A_13, %dma_start3A_14] : memref<3x320x128xf32, #tpu.memory_space<vmem>> -> memref<1x320x128xf32, #tpu.memory_space<vmem>>
    %dma_start3A_16 = tpu.memref_squeeze %dma_start3A_15 : memref<1x320x128xf32, #tpu.memory_space<vmem>> -> memref<320x128xf32, #tpu.memory_space<vmem>>
    %dma_start3A_17 = arith.constant 320 : i32
    %dma_start3A_18 = tpu.memref_slice %arg5[%dma_start3A_17] : memref<6400xi32, #tpu.memory_space<vmem>> -> memref<320xi32, #tpu.memory_space<vmem>>
    %dma_start3A_19 = arith.constant 0 : i32
    %dma_start3A_20 = arith.constant 0 : i32
    %dma_start3A_21 = tpu.memref_slice %arg3[%dma_start3A_19, %dma_start3A_20] : memref<100000x128xf32, #tpu.memory_space<hbm>> -> memref<100000x128xf32, #tpu.memory_space<hbm>>
    tpu.enqueue_indirect_dma source(%dma_start3A_21 : memref<100000x128xf32, #tpu.memory_space<hbm>>) target(%dma_start3A_16 : memref<320x128xf32, #tpu.memory_space<vmem>>) offsets(%dma_start3A_18 : memref<320xi32, #tpu.memory_space<vmem>>) semaphore(%arg8 : memref<!tpu.dma_semaphore, #tpu.memory_space<semaphore_mem>>)
    %scan3A = arith.constant 0 : i32
    %scan3A_22 = arith.constant 5 : i32
    %scan3A_23 = arith.addi %scan3A, %scan3A_22 : i32
    %scan3A_24 = arith.constant 1 : i32
    scf.for %scan3A_283 = %scan3A to %scan3A_23 step %scan3A_24  : i32 {
      %mul3A_284 = arith.constant 3 : i32
      %mul3A_285 = arith.muli %scan3A_283, %mul3A_284 : i32
      %add3A_286 = arith.constant 0 : i32
      %add3A_287 = arith.addi %add3A_286, %mul3A_285 : i32
      %add3A_288 = arith.constant 0 : i32
      %add3A_289 = arith.addi %add3A_287, %add3A_288 : i32
      %dma_wait3A_290 = arith.constant 0 : i32
      %dma_wait3A_291 = arith.constant 0 : i32
      %dma_wait3A_292 = arith.constant 0 : i32
      %dma_wait3A_293 = tpu.memref_slice %arg6[%dma_wait3A_290, %dma_wait3A_291, %dma_wait3A_292] : memref<3x320x128xf32, #tpu.memory_space<vmem>> -> memref<1x320x128xf32, #tpu.memory_space<vmem>>
      %dma_wait3A_294 = tpu.memref_squeeze %dma_wait3A_293 : memref<1x320x128xf32, #tpu.memory_space<vmem>> -> memref<320x128xf32, #tpu.memory_space<vmem>>
      %dma_wait3A_295 = arith.constant 0 : i32
      %dma_wait3A_296 = arith.constant 0 : i32
      %dma_wait3A_297 = tpu.memref_slice %arg3[%dma_wait3A_295, %dma_wait3A_296] : memref<100000x128xf32, #tpu.memory_space<hbm>> -> memref<320x128xf32, #tpu.memory_space<hbm>>
      %dma_wait3A_298 = arith.constant 0 : i32
      %dma_wait3A_299 = arith.constant 0 : i32
      %dma_wait3A_300 = tpu.memref_slice %arg6[%dma_wait3A_290, %dma_wait3A_298, %dma_wait3A_299] : memref<3x320x128xf32, #tpu.memory_space<vmem>> -> memref<1x320x128xf32, #tpu.memory_space<vmem>>
      %dma_wait3A_301 = tpu.memref_squeeze %dma_wait3A_300 : memref<1x320x128xf32, #tpu.memory_space<vmem>> -> memref<320x128xf32, #tpu.memory_space<vmem>>
      %dma_wait3A_302 = arith.constant 0 : i32
      %dma_wait3A_303 = arith.constant 0 : i32
      %dma_wait3A_304 = tpu.memref_slice %arg3[%dma_wait3A_302, %dma_wait3A_303] : memref<100000x128xf32, #tpu.memory_space<hbm>> -> memref<320x128xf32, #tpu.memory_space<hbm>>
      tpu.wait_dma2 semaphore(%arg7 : memref<!tpu.dma_semaphore, #tpu.memory_space<semaphore_mem>>) src(%dma_wait3A_304 : memref<320x128xf32, #tpu.memory_space<hbm>>) dst(%dma_wait3A_301 : memref<320x128xf32, #tpu.memory_space<vmem>>)
      %gt3A = arith.constant 0 : i32
      %gt3A_305 = arith.cmpi sgt, %add3A_289, %gt3A : i32
      %convert_element_type3A = arith.extui %gt3A_305 : i1 to i32
      %cond3A = arith.constant 0 : i32
      %cond3A_306 = arith.cmpi ne, %convert_element_type3A, %cond3A : i32
      scf.if %cond3A_306 {
        %dma_wait3A_443 = arith.constant 2 : i32
        %dma_wait3A_444 = arith.constant 0 : i32
        %dma_wait3A_445 = arith.constant 0 : i32
        %dma_wait3A_446 = tpu.memref_slice %arg6[%dma_wait3A_443, %dma_wait3A_444, %dma_wait3A_445] : memref<3x320x128xf32, #tpu.memory_space<vmem>> -> memref<1x320x128xf32, #tpu.memory_space<vmem>>
        %dma_wait3A_447 = tpu.memref_squeeze %dma_wait3A_446 : memref<1x320x128xf32, #tpu.memory_space<vmem>> -> memref<320x128xf32, #tpu.memory_space<vmem>>
        %dma_wait3A_448 = arith.constant 0 : i32
        %dma_wait3A_449 = tpu.memref_slice %arg4[%mul3A_2, %dma_wait3A_448] : memref<204800x128xf32, #tpu.memory_space<hbm>> -> memref<320x128xf32, #tpu.memory_space<hbm>>
        %dma_wait3A_450 = arith.constant 0 : i32
        %dma_wait3A_451 = tpu.memref_slice %arg4[%mul3A_2, %dma_wait3A_450] : memref<204800x128xf32, #tpu.memory_space<hbm>> -> memref<320x128xf32, #tpu.memory_space<hbm>>
        %dma_wait3A_452 = arith.constant 0 : i32
        %dma_wait3A_453 = arith.constant 0 : i32
        %dma_wait3A_454 = tpu.memref_slice %arg6[%dma_wait3A_443, %dma_wait3A_452, %dma_wait3A_453] : memref<3x320x128xf32, #tpu.memory_space<vmem>> -> memref<1x320x128xf32, #tpu.memory_space<vmem>>
        %dma_wait3A_455 = tpu.memref_squeeze %dma_wait3A_454 : memref<1x320x128xf32, #tpu.memory_space<vmem>> -> memref<320x128xf32, #tpu.memory_space<vmem>>
        tpu.wait_dma2 semaphore(%arg12 : memref<!tpu.dma_semaphore, #tpu.memory_space<semaphore_mem>>) src(%dma_wait3A_455 : memref<320x128xf32, #tpu.memory_space<vmem>>) dst(%dma_wait3A_451 : memref<320x128xf32, #tpu.memory_space<hbm>>)
      } else {
      }
      %add3A_307 = arith.constant 3 : i32
      %add3A_308 = arith.addi %add3A_289, %add3A_307 : i32
      %sub3A = arith.constant 1 : i32
      %sub3A_309 = arith.subi %add3A_308, %sub3A : i32
      %mul3A_310 = arith.constant 320 : i32
      %mul3A_311 = arith.muli %sub3A_309, %mul3A_310 : i32
      %dma_start3A_312 = arith.constant 2 : i32
      %dma_start3A_313 = arith.constant 0 : i32
      %dma_start3A_314 = arith.constant 0 : i32
      %dma_start3A_315 = tpu.memref_slice %arg6[%dma_start3A_312, %dma_start3A_313, %dma_start3A_314] : memref<3x320x128xf32, #tpu.memory_space<vmem>> -> memref<1x320x128xf32, #tpu.memory_space<vmem>>
      %dma_start3A_316 = tpu.memref_squeeze %dma_start3A_315 : memref<1x320x128xf32, #tpu.memory_space<vmem>> -> memref<320x128xf32, #tpu.memory_space<vmem>>
      %dma_start3A_317 = tpu.memref_slice %arg5[%mul3A_311] : memref<6400xi32, #tpu.memory_space<vmem>> -> memref<320xi32, #tpu.memory_space<vmem>>
      %dma_start3A_318 = arith.constant 0 : i32
      %dma_start3A_319 = arith.constant 0 : i32
      %dma_start3A_320 = tpu.memref_slice %arg3[%dma_start3A_318, %dma_start3A_319] : memref<100000x128xf32, #tpu.memory_space<hbm>> -> memref<100000x128xf32, #tpu.memory_space<hbm>>
      tpu.enqueue_indirect_dma source(%dma_start3A_320 : memref<100000x128xf32, #tpu.memory_space<hbm>>) target(%dma_start3A_316 : memref<320x128xf32, #tpu.memory_space<vmem>>) offsets(%dma_start3A_317 : memref<320xi32, #tpu.memory_space<vmem>>) semaphore(%arg9 : memref<!tpu.dma_semaphore, #tpu.memory_space<semaphore_mem>>)
      %mul3A_321 = arith.constant 320 : i32
      %mul3A_322 = arith.muli %add3A_289, %mul3A_321 : i32
      %add3A_323 = arith.addi %mul3A_2, %mul3A_322 : i32
      %dma_start3A_324 = arith.constant 0 : i32
      %dma_start3A_325 = arith.constant 0 : i32
      %dma_start3A_326 = arith.constant 0 : i32
      %dma_start3A_327 = tpu.memref_slice %arg6[%dma_start3A_324, %dma_start3A_325, %dma_start3A_326] : memref<3x320x128xf32, #tpu.memory_space<vmem>> -> memref<1x320x128xf32, #tpu.memory_space<vmem>>
      %dma_start3A_328 = tpu.memref_squeeze %dma_start3A_327 : memref<1x320x128xf32, #tpu.memory_space<vmem>> -> memref<320x128xf32, #tpu.memory_space<vmem>>
      %dma_start3A_329 = arith.constant 0 : i32
      %dma_start3A_330 = tpu.memref_slice %arg4[%add3A_323, %dma_start3A_329] : memref<204800x128xf32, #tpu.memory_space<hbm>> -> memref<320x128xf32, #tpu.memory_space<hbm>>
      %dma_start3A_331 = arith.constant 0 : i32
      %dma_start3A_332 = tpu.memref_slice %arg4[%add3A_323, %dma_start3A_331] : memref<204800x128xf32, #tpu.memory_space<hbm>> -> memref<320x128xf32, #tpu.memory_space<hbm>>
      %dma_start3A_333 = arith.constant 0 : i32
      %dma_start3A_334 = arith.constant 0 : i32
      %dma_start3A_335 = tpu.memref_slice %arg6[%dma_start3A_324, %dma_start3A_333, %dma_start3A_334] : memref<3x320x128xf32, #tpu.memory_space<vmem>> -> memref<1x320x128xf32, #tpu.memory_space<vmem>>
      %dma_start3A_336 = tpu.memref_squeeze %dma_start3A_335 : memref<1x320x128xf32, #tpu.memory_space<vmem>> -> memref<320x128xf32, #tpu.memory_space<vmem>>
      tpu.enqueue_dma source(%dma_start3A_336 : memref<320x128xf32, #tpu.memory_space<vmem>>) target(%dma_start3A_332 : memref<320x128xf32, #tpu.memory_space<hbm>>) target_semaphore(%arg10 : memref<!tpu.dma_semaphore, #tpu.memory_space<semaphore_mem>>)
      %add3A_337 = arith.constant 1 : i32
      %add3A_338 = arith.addi %add3A_287, %add3A_337 : i32
      %dma_wait3A_339 = arith.constant 1 : i32
      %dma_wait3A_340 = arith.constant 0 : i32
      %dma_wait3A_341 = arith.constant 0 : i32
      %dma_wait3A_342 = tpu.memref_slice %arg6[%dma_wait3A_339, %dma_wait3A_340, %dma_wait3A_341] : memref<3x320x128xf32, #tpu.memory_space<vmem>> -> memref<1x320x128xf32, #tpu.memory_space<vmem>>
      %dma_wait3A_343 = tpu.memref_squeeze %dma_wait3A_342 : memref<1x320x128xf32, #tpu.memory_space<vmem>> -> memref<320x128xf32, #tpu.memory_space<vmem>>
      %dma_wait3A_344 = arith.constant 0 : i32
      %dma_wait3A_345 = arith.constant 0 : i32
      %dma_wait3A_346 = tpu.memref_slice %arg3[%dma_wait3A_344, %dma_wait3A_345] : memref<100000x128xf32, #tpu.memory_space<hbm>> -> memref<320x128xf32, #tpu.memory_space<hbm>>
      %dma_wait3A_347 = arith.constant 0 : i32
      %dma_wait3A_348 = arith.constant 0 : i32
      %dma_wait3A_349 = tpu.memref_slice %arg6[%dma_wait3A_339, %dma_wait3A_347, %dma_wait3A_348] : memref<3x320x128xf32, #tpu.memory_space<vmem>> -> memref<1x320x128xf32, #tpu.memory_space<vmem>>
      %dma_wait3A_350 = tpu.memref_squeeze %dma_wait3A_349 : memref<1x320x128xf32, #tpu.memory_space<vmem>> -> memref<320x128xf32, #tpu.memory_space<vmem>>
      %dma_wait3A_351 = arith.constant 0 : i32
      %dma_wait3A_352 = arith.constant 0 : i32
      %dma_wait3A_353 = tpu.memref_slice %arg3[%dma_wait3A_351, %dma_wait3A_352] : memref<100000x128xf32, #tpu.memory_space<hbm>> -> memref<320x128xf32, #tpu.memory_space<hbm>>
      tpu.wait_dma2 semaphore(%arg8 : memref<!tpu.dma_semaphore, #tpu.memory_space<semaphore_mem>>) src(%dma_wait3A_353 : memref<320x128xf32, #tpu.memory_space<hbm>>) dst(%dma_wait3A_350 : memref<320x128xf32, #tpu.memory_space<vmem>>)
      %gt3A_354 = arith.constant 0 : i32
      %gt3A_355 = arith.cmpi sgt, %add3A_338, %gt3A_354 : i32
      %convert_element_type3A_356 = arith.extui %gt3A_355 : i1 to i32
      %cond3A_357 = arith.constant 0 : i32
      %cond3A_358 = arith.cmpi ne, %convert_element_type3A_356, %cond3A_357 : i32
      scf.if %cond3A_358 {
        %dma_wait3A_443 = arith.constant 0 : i32
        %dma_wait3A_444 = arith.constant 0 : i32
        %dma_wait3A_445 = arith.constant 0 : i32
        %dma_wait3A_446 = tpu.memref_slice %arg6[%dma_wait3A_443, %dma_wait3A_444, %dma_wait3A_445] : memref<3x320x128xf32, #tpu.memory_space<vmem>> -> memref<1x320x128xf32, #tpu.memory_space<vmem>>
        %dma_wait3A_447 = tpu.memref_squeeze %dma_wait3A_446 : memref<1x320x128xf32, #tpu.memory_space<vmem>> -> memref<320x128xf32, #tpu.memory_space<vmem>>
        %dma_wait3A_448 = arith.constant 0 : i32
        %dma_wait3A_449 = tpu.memref_slice %arg4[%mul3A_2, %dma_wait3A_448] : memref<204800x128xf32, #tpu.memory_space<hbm>> -> memref<320x128xf32, #tpu.memory_space<hbm>>
        %dma_wait3A_450 = arith.constant 0 : i32
        %dma_wait3A_451 = tpu.memref_slice %arg4[%mul3A_2, %dma_wait3A_450] : memref<204800x128xf32, #tpu.memory_space<hbm>> -> memref<320x128xf32, #tpu.memory_space<hbm>>
        %dma_wait3A_452 = arith.constant 0 : i32
        %dma_wait3A_453 = arith.constant 0 : i32
        %dma_wait3A_454 = tpu.memref_slice %arg6[%dma_wait3A_443, %dma_wait3A_452, %dma_wait3A_453] : memref<3x320x128xf32, #tpu.memory_space<vmem>> -> memref<1x320x128xf32, #tpu.memory_space<vmem>>
        %dma_wait3A_455 = tpu.memref_squeeze %dma_wait3A_454 : memref<1x320x128xf32, #tpu.memory_space<vmem>> -> memref<320x128xf32, #tpu.memory_space<vmem>>
        tpu.wait_dma2 semaphore(%arg10 : memref<!tpu.dma_semaphore, #tpu.memory_space<semaphore_mem>>) src(%dma_wait3A_455 : memref<320x128xf32, #tpu.memory_space<vmem>>) dst(%dma_wait3A_451 : memref<320x128xf32, #tpu.memory_space<hbm>>)
      } else {
      }
      %add3A_359 = arith.constant 3 : i32
      %add3A_360 = arith.addi %add3A_338, %add3A_359 : i32
      %sub3A_361 = arith.constant 1 : i32
      %sub3A_362 = arith.subi %add3A_360, %sub3A_361 : i32
      %mul3A_363 = arith.constant 320 : i32
      %mul3A_364 = arith.muli %sub3A_362, %mul3A_363 : i32
      %dma_start3A_365 = arith.constant 0 : i32
      %dma_start3A_366 = arith.constant 0 : i32
      %dma_start3A_367 = arith.constant 0 : i32
      %dma_start3A_368 = tpu.memref_slice %arg6[%dma_start3A_365, %dma_start3A_366, %dma_start3A_367] : memref<3x320x128xf32, #tpu.memory_space<vmem>> -> memref<1x320x128xf32, #tpu.memory_space<vmem>>
      %dma_start3A_369 = tpu.memref_squeeze %dma_start3A_368 : memref<1x320x128xf32, #tpu.memory_space<vmem>> -> memref<320x128xf32, #tpu.memory_space<vmem>>
      %dma_start3A_370 = tpu.memref_slice %arg5[%mul3A_364] : memref<6400xi32, #tpu.memory_space<vmem>> -> memref<320xi32, #tpu.memory_space<vmem>>
      %dma_start3A_371 = arith.constant 0 : i32
      %dma_start3A_372 = arith.constant 0 : i32
      %dma_start3A_373 = tpu.memref_slice %arg3[%dma_start3A_371, %dma_start3A_372] : memref<100000x128xf32, #tpu.memory_space<hbm>> -> memref<100000x128xf32, #tpu.memory_space<hbm>>
      tpu.enqueue_indirect_dma source(%dma_start3A_373 : memref<100000x128xf32, #tpu.memory_space<hbm>>) target(%dma_start3A_369 : memref<320x128xf32, #tpu.memory_space<vmem>>) offsets(%dma_start3A_370 : memref<320xi32, #tpu.memory_space<vmem>>) semaphore(%arg7 : memref<!tpu.dma_semaphore, #tpu.memory_space<semaphore_mem>>)
      %mul3A_374 = arith.constant 320 : i32
      %mul3A_375 = arith.muli %add3A_338, %mul3A_374 : i32
      %add3A_376 = arith.addi %mul3A_2, %mul3A_375 : i32
      %dma_start3A_377 = arith.constant 1 : i32
      %dma_start3A_378 = arith.constant 0 : i32
      %dma_start3A_379 = arith.constant 0 : i32
      %dma_start3A_380 = tpu.memref_slice %arg6[%dma_start3A_377, %dma_start3A_378, %dma_start3A_379] : memref<3x320x128xf32, #tpu.memory_space<vmem>> -> memref<1x320x128xf32, #tpu.memory_space<vmem>>
      %dma_start3A_381 = tpu.memref_squeeze %dma_start3A_380 : memref<1x320x128xf32, #tpu.memory_space<vmem>> -> memref<320x128xf32, #tpu.memory_space<vmem>>
      %dma_start3A_382 = arith.constant 0 : i32
      %dma_start3A_383 = tpu.memref_slice %arg4[%add3A_376, %dma_start3A_382] : memref<204800x128xf32, #tpu.memory_space<hbm>> -> memref<320x128xf32, #tpu.memory_space<hbm>>
      %dma_start3A_384 = arith.constant 0 : i32
      %dma_start3A_385 = tpu.memref_slice %arg4[%add3A_376, %dma_start3A_384] : memref<204800x128xf32, #tpu.memory_space<hbm>> -> memref<320x128xf32, #tpu.memory_space<hbm>>
      %dma_start3A_386 = arith.constant 0 : i32
      %dma_start3A_387 = arith.constant 0 : i32
      %dma_start3A_388 = tpu.memref_slice %arg6[%dma_start3A_377, %dma_start3A_386, %dma_start3A_387] : memref<3x320x128xf32, #tpu.memory_space<vmem>> -> memref<1x320x128xf32, #tpu.memory_space<vmem>>
      %dma_start3A_389 = tpu.memref_squeeze %dma_start3A_388 : memref<1x320x128xf32, #tpu.memory_space<vmem>> -> memref<320x128xf32, #tpu.memory_space<vmem>>
      tpu.enqueue_dma source(%dma_start3A_389 : memref<320x128xf32, #tpu.memory_space<vmem>>) target(%dma_start3A_385 : memref<320x128xf32, #tpu.memory_space<hbm>>) target_semaphore(%arg11 : memref<!tpu.dma_semaphore, #tpu.memory_space<semaphore_mem>>)
      %add3A_390 = arith.constant 2 : i32
      %add3A_391 = arith.addi %add3A_287, %add3A_390 : i32
      %dma_wait3A_392 = arith.constant 2 : i32
      %dma_wait3A_393 = arith.constant 0 : i32
      %dma_wait3A_394 = arith.constant 0 : i32
      %dma_wait3A_395 = tpu.memref_slice %arg6[%dma_wait3A_392, %dma_wait3A_393, %dma_wait3A_394] : memref<3x320x128xf32, #tpu.memory_space<vmem>> -> memref<1x320x128xf32, #tpu.memory_space<vmem>>
      %dma_wait3A_396 = tpu.memref_squeeze %dma_wait3A_395 : memref<1x320x128xf32, #tpu.memory_space<vmem>> -> memref<320x128xf32, #tpu.memory_space<vmem>>
      %dma_wait3A_397 = arith.constant 0 : i32
      %dma_wait3A_398 = arith.constant 0 : i32
      %dma_wait3A_399 = tpu.memref_slice %arg3[%dma_wait3A_397, %dma_wait3A_398] : memref<100000x128xf32, #tpu.memory_space<hbm>> -> memref<320x128xf32, #tpu.memory_space<hbm>>
      %dma_wait3A_400 = arith.constant 0 : i32
      %dma_wait3A_401 = arith.constant 0 : i32
      %dma_wait3A_402 = tpu.memref_slice %arg6[%dma_wait3A_392, %dma_wait3A_400, %dma_wait3A_401] : memref<3x320x128xf32, #tpu.memory_space<vmem>> -> memref<1x320x128xf32, #tpu.memory_space<vmem>>
      %dma_wait3A_403 = tpu.memref_squeeze %dma_wait3A_402 : memref<1x320x128xf32, #tpu.memory_space<vmem>> -> memref<320x128xf32, #tpu.memory_space<vmem>>
      %dma_wait3A_404 = arith.constant 0 : i32
      %dma_wait3A_405 = arith.constant 0 : i32
      %dma_wait3A_406 = tpu.memref_slice %arg3[%dma_wait3A_404, %dma_wait3A_405] : memref<100000x128xf32, #tpu.memory_space<hbm>> -> memref<320x128xf32, #tpu.memory_space<hbm>>
      tpu.wait_dma2 semaphore(%arg9 : memref<!tpu.dma_semaphore, #tpu.memory_space<semaphore_mem>>) src(%dma_wait3A_406 : memref<320x128xf32, #tpu.memory_space<hbm>>) dst(%dma_wait3A_403 : memref<320x128xf32, #tpu.memory_space<vmem>>)
      %gt3A_407 = arith.constant 0 : i32
      %gt3A_408 = arith.cmpi sgt, %add3A_391, %gt3A_407 : i32
      %convert_element_type3A_409 = arith.extui %gt3A_408 : i1 to i32
      %cond3A_410 = arith.constant 0 : i32
      %cond3A_411 = arith.cmpi ne, %convert_element_type3A_409, %cond3A_410 : i32
      scf.if %cond3A_411 {
        %dma_wait3A_443 = arith.constant 1 : i32
        %dma_wait3A_444 = arith.constant 0 : i32
        %dma_wait3A_445 = arith.constant 0 : i32
        %dma_wait3A_446 = tpu.memref_slice %arg6[%dma_wait3A_443, %dma_wait3A_444, %dma_wait3A_445] : memref<3x320x128xf32, #tpu.memory_space<vmem>> -> memref<1x320x128xf32, #tpu.memory_space<vmem>>
        %dma_wait3A_447 = tpu.memref_squeeze %dma_wait3A_446 : memref<1x320x128xf32, #tpu.memory_space<vmem>> -> memref<320x128xf32, #tpu.memory_space<vmem>>
        %dma_wait3A_448 = arith.constant 0 : i32
        %dma_wait3A_449 = tpu.memref_slice %arg4[%mul3A_2, %dma_wait3A_448] : memref<204800x128xf32, #tpu.memory_space<hbm>> -> memref<320x128xf32, #tpu.memory_space<hbm>>
        %dma_wait3A_450 = arith.constant 0 : i32
        %dma_wait3A_451 = tpu.memref_slice %arg4[%mul3A_2, %dma_wait3A_450] : memref<204800x128xf32, #tpu.memory_space<hbm>> -> memref<320x128xf32, #tpu.memory_space<hbm>>
        %dma_wait3A_452 = arith.constant 0 : i32
        %dma_wait3A_453 = arith.constant 0 : i32
        %dma_wait3A_454 = tpu.memref_slice %arg6[%dma_wait3A_443, %dma_wait3A_452, %dma_wait3A_453] : memref<3x320x128xf32, #tpu.memory_space<vmem>> -> memref<1x320x128xf32, #tpu.memory_space<vmem>>
        %dma_wait3A_455 = tpu.memref_squeeze %dma_wait3A_454 : memref<1x320x128xf32, #tpu.memory_space<vmem>> -> memref<320x128xf32, #tpu.memory_space<vmem>>
        tpu.wait_dma2 semaphore(%arg11 : memref<!tpu.dma_semaphore, #tpu.memory_space<semaphore_mem>>) src(%dma_wait3A_455 : memref<320x128xf32, #tpu.memory_space<vmem>>) dst(%dma_wait3A_451 : memref<320x128xf32, #tpu.memory_space<hbm>>)
      } else {
      }
      %add3A_412 = arith.constant 3 : i32
      %add3A_413 = arith.addi %add3A_391, %add3A_412 : i32
      %sub3A_414 = arith.constant 1 : i32
      %sub3A_415 = arith.subi %add3A_413, %sub3A_414 : i32
      %mul3A_416 = arith.constant 320 : i32
      %mul3A_417 = arith.muli %sub3A_415, %mul3A_416 : i32
      %dma_start3A_418 = arith.constant 1 : i32
      %dma_start3A_419 = arith.constant 0 : i32
      %dma_start3A_420 = arith.constant 0 : i32
      %dma_start3A_421 = tpu.memref_slice %arg6[%dma_start3A_418, %dma_start3A_419, %dma_start3A_420] : memref<3x320x128xf32, #tpu.memory_space<vmem>> -> memref<1x320x128xf32, #tpu.memory_space<vmem>>
      %dma_start3A_422 = tpu.memref_squeeze %dma_start3A_421 : memref<1x320x128xf32, #tpu.memory_space<vmem>> -> memref<320x128xf32, #tpu.memory_space<vmem>>
      %dma_start3A_423 = tpu.memref_slice %arg5[%mul3A_417] : memref<6400xi32, #tpu.memory_space<vmem>> -> memref<320xi32, #tpu.memory_space<vmem>>
      %dma_start3A_424 = arith.constant 0 : i32
      %dma_start3A_425 = arith.constant 0 : i32
      %dma_start3A_426 = tpu.memref_slice %arg3[%dma_start3A_424, %dma_start3A_425] : memref<100000x128xf32, #tpu.memory_space<hbm>> -> memref<100000x128xf32, #tpu.memory_space<hbm>>
      tpu.enqueue_indirect_dma source(%dma_start3A_426 : memref<100000x128xf32, #tpu.memory_space<hbm>>) target(%dma_start3A_422 : memref<320x128xf32, #tpu.memory_space<vmem>>) offsets(%dma_start3A_423 : memref<320xi32, #tpu.memory_space<vmem>>) semaphore(%arg8 : memref<!tpu.dma_semaphore, #tpu.memory_space<semaphore_mem>>)
      %mul3A_427 = arith.constant 320 : i32
      %mul3A_428 = arith.muli %add3A_391, %mul3A_427 : i32
      %add3A_429 = arith.addi %mul3A_2, %mul3A_428 : i32
      %dma_start3A_430 = arith.constant 2 : i32
      %dma_start3A_431 = arith.constant 0 : i32
      %dma_start3A_432 = arith.constant 0 : i32
      %dma_start3A_433 = tpu.memref_slice %arg6[%dma_start3A_430, %dma_start3A_431, %dma_start3A_432] : memref<3x320x128xf32, #tpu.memory_space<vmem>> -> memref<1x320x128xf32, #tpu.memory_space<vmem>>
      %dma_start3A_434 = tpu.memref_squeeze %dma_start3A_433 : memref<1x320x128xf32, #tpu.memory_space<vmem>> -> memref<320x128xf32, #tpu.memory_space<vmem>>
      %dma_start3A_435 = arith.constant 0 : i32
      %dma_start3A_436 = tpu.memref_slice %arg4[%add3A_429, %dma_start3A_435] : memref<204800x128xf32, #tpu.memory_space<hbm>> -> memref<320x128xf32, #tpu.memory_space<hbm>>
      %dma_start3A_437 = arith.constant 0 : i32
      %dma_start3A_438 = tpu.memref_slice %arg4[%add3A_429, %dma_start3A_437] : memref<204800x128xf32, #tpu.memory_space<hbm>> -> memref<320x128xf32, #tpu.memory_space<hbm>>
      %dma_start3A_439 = arith.constant 0 : i32
      %dma_start3A_440 = arith.constant 0 : i32
      %dma_start3A_441 = tpu.memref_slice %arg6[%dma_start3A_430, %dma_start3A_439, %dma_start3A_440] : memref<3x320x128xf32, #tpu.memory_space<vmem>> -> memref<1x320x128xf32, #tpu.memory_space<vmem>>
      %dma_start3A_442 = tpu.memref_squeeze %dma_start3A_441 : memref<1x320x128xf32, #tpu.memory_space<vmem>> -> memref<320x128xf32, #tpu.memory_space<vmem>>
      tpu.enqueue_dma source(%dma_start3A_442 : memref<320x128xf32, #tpu.memory_space<vmem>>) target(%dma_start3A_438 : memref<320x128xf32, #tpu.memory_space<hbm>>) target_semaphore(%arg12 : memref<!tpu.dma_semaphore, #tpu.memory_space<semaphore_mem>>)
    }
    %scan3A_25 = arith.constant 5 : i32
    %dma_wait3A = arith.constant 0 : i32
    %dma_wait3A_26 = arith.constant 0 : i32
    %dma_wait3A_27 = arith.constant 0 : i32
    %dma_wait3A_28 = tpu.memref_slice %arg6[%dma_wait3A, %dma_wait3A_26, %dma_wait3A_27] : memref<3x320x128xf32, #tpu.memory_space<vmem>> -> memref<1x320x128xf32, #tpu.memory_space<vmem>>
    %dma_wait3A_29 = tpu.memref_squeeze %dma_wait3A_28 : memref<1x320x128xf32, #tpu.memory_space<vmem>> -> memref<320x128xf32, #tpu.memory_space<vmem>>
    %dma_wait3A_30 = arith.constant 0 : i32
    %dma_wait3A_31 = arith.constant 0 : i32
    %dma_wait3A_32 = tpu.memref_slice %arg3[%dma_wait3A_30, %dma_wait3A_31] : memref<100000x128xf32, #tpu.memory_space<hbm>> -> memref<320x128xf32, #tpu.memory_space<hbm>>
    %dma_wait3A_33 = arith.constant 0 : i32
    %dma_wait3A_34 = arith.constant 0 : i32
    %dma_wait3A_35 = tpu.memref_slice %arg6[%dma_wait3A, %dma_wait3A_33, %dma_wait3A_34] : memref<3x320x128xf32, #tpu.memory_space<vmem>> -> memref<1x320x128xf32, #tpu.memory_space<vmem>>
    %dma_wait3A_36 = tpu.memref_squeeze %dma_wait3A_35 : memref<1x320x128xf32, #tpu.memory_space<vmem>> -> memref<320x128xf32, #tpu.memory_space<vmem>>
    %dma_wait3A_37 = arith.constant 0 : i32
    %dma_wait3A_38 = arith.constant 0 : i32
    %dma_wait3A_39 = tpu.memref_slice %arg3[%dma_wait3A_37, %dma_wait3A_38] : memref<100000x128xf32, #tpu.memory_space<hbm>> -> memref<320x128xf32, #tpu.memory_space<hbm>>
    tpu.wait_dma2 semaphore(%arg7 : memref<!tpu.dma_semaphore, #tpu.memory_space<semaphore_mem>>) src(%dma_wait3A_39 : memref<320x128xf32, #tpu.memory_space<hbm>>) dst(%dma_wait3A_36 : memref<320x128xf32, #tpu.memory_space<vmem>>)
    %dma_wait3A_40 = arith.constant 2 : i32
    %dma_wait3A_41 = arith.constant 0 : i32
    %dma_wait3A_42 = arith.constant 0 : i32
    %dma_wait3A_43 = tpu.memref_slice %arg6[%dma_wait3A_40, %dma_wait3A_41, %dma_wait3A_42] : memref<3x320x128xf32, #tpu.memory_space<vmem>> -> memref<1x320x128xf32, #tpu.memory_space<vmem>>
    %dma_wait3A_44 = tpu.memref_squeeze %dma_wait3A_43 : memref<1x320x128xf32, #tpu.memory_space<vmem>> -> memref<320x128xf32, #tpu.memory_space<vmem>>
    %dma_wait3A_45 = arith.constant 0 : i32
    %dma_wait3A_46 = tpu.memref_slice %arg4[%mul3A_2, %dma_wait3A_45] : memref<204800x128xf32, #tpu.memory_space<hbm>> -> memref<320x128xf32, #tpu.memory_space<hbm>>
    %dma_wait3A_47 = arith.constant 0 : i32
    %dma_wait3A_48 = tpu.memref_slice %arg4[%mul3A_2, %dma_wait3A_47] : memref<204800x128xf32, #tpu.memory_space<hbm>> -> memref<320x128xf32, #tpu.memory_space<hbm>>
    %dma_wait3A_49 = arith.constant 0 : i32
    %dma_wait3A_50 = arith.constant 0 : i32
    %dma_wait3A_51 = tpu.memref_slice %arg6[%dma_wait3A_40, %dma_wait3A_49, %dma_wait3A_50] : memref<3x320x128xf32, #tpu.memory_space<vmem>> -> memref<1x320x128xf32, #tpu.memory_space<vmem>>
    %dma_wait3A_52 = tpu.memref_squeeze %dma_wait3A_51 : memref<1x320x128xf32, #tpu.memory_space<vmem>> -> memref<320x128xf32, #tpu.memory_space<vmem>>
    tpu.wait_dma2 semaphore(%arg12 : memref<!tpu.dma_semaphore, #tpu.memory_space<semaphore_mem>>) src(%dma_wait3A_52 : memref<320x128xf32, #tpu.memory_space<vmem>>) dst(%dma_wait3A_48 : memref<320x128xf32, #tpu.memory_space<hbm>>)
    %dma_start3A_53 = arith.constant 2 : i32
    %dma_start3A_54 = arith.constant 0 : i32
    %dma_start3A_55 = arith.constant 0 : i32
    %dma_start3A_56 = tpu.memref_slice %arg6[%dma_start3A_53, %dma_start3A_54, %dma_start3A_55] : memref<3x320x128xf32, #tpu.memory_space<vmem>> -> memref<1x320x128xf32, #tpu.memory_space<vmem>>
    %dma_start3A_57 = tpu.memref_squeeze %dma_start3A_56 : memref<1x320x128xf32, #tpu.memory_space<vmem>> -> memref<320x128xf32, #tpu.memory_space<vmem>>
    %dma_start3A_58 = arith.constant 5440 : i32
    %dma_start3A_59 = tpu.memref_slice %arg5[%dma_start3A_58] : memref<6400xi32, #tpu.memory_space<vmem>> -> memref<320xi32, #tpu.memory_space<vmem>>
    %dma_start3A_60 = arith.constant 0 : i32
    %dma_start3A_61 = arith.constant 0 : i32
    %dma_start3A_62 = tpu.memref_slice %arg3[%dma_start3A_60, %dma_start3A_61] : memref<100000x128xf32, #tpu.memory_space<hbm>> -> memref<100000x128xf32, #tpu.memory_space<hbm>>
    tpu.enqueue_indirect_dma source(%dma_start3A_62 : memref<100000x128xf32, #tpu.memory_space<hbm>>) target(%dma_start3A_57 : memref<320x128xf32, #tpu.memory_space<vmem>>) offsets(%dma_start3A_59 : memref<320xi32, #tpu.memory_space<vmem>>) semaphore(%arg9 : memref<!tpu.dma_semaphore, #tpu.memory_space<semaphore_mem>>)
    %add3A_63 = arith.constant 4800 : i32
    %add3A_64 = arith.addi %mul3A_2, %add3A_63 : i32
    %dma_start3A_65 = arith.constant 0 : i32
    %dma_start3A_66 = arith.constant 0 : i32
    %dma_start3A_67 = arith.constant 0 : i32
    %dma_start3A_68 = tpu.memref_slice %arg6[%dma_start3A_65, %dma_start3A_66, %dma_start3A_67] : memref<3x320x128xf32, #tpu.memory_space<vmem>> -> memref<1x320x128xf32, #tpu.memory_space<vmem>>
    %dma_start3A_69 = tpu.memref_squeeze %dma_start3A_68 : memref<1x320x128xf32, #tpu.memory_space<vmem>> -> memref<320x128xf32, #tpu.memory_space<vmem>>
    %dma_start3A_70 = arith.constant 0 : i32
    %dma_start3A_71 = tpu.memref_slice %arg4[%add3A_64, %dma_start3A_70] : memref<204800x128xf32, #tpu.memory_space<hbm>> -> memref<320x128xf32, #tpu.memory_space<hbm>>
    %dma_start3A_72 = arith.constant 0 : i32
    %dma_start3A_73 = tpu.memref_slice %arg4[%add3A_64, %dma_start3A_72] : memref<204800x128xf32, #tpu.memory_space<hbm>> -> memref<320x128xf32, #tpu.memory_space<hbm>>
    %dma_start3A_74 = arith.constant 0 : i32
    %dma_start3A_75 = arith.constant 0 : i32
    %dma_start3A_76 = tpu.memref_slice %arg6[%dma_start3A_65, %dma_start3A_74, %dma_start3A_75] : memref<3x320x128xf32, #tpu.memory_space<vmem>> -> memref<1x320x128xf32, #tpu.memory_space<vmem>>
    %dma_start3A_77 = tpu.memref_squeeze %dma_start3A_76 : memref<1x320x128xf32, #tpu.memory_space<vmem>> -> memref<320x128xf32, #tpu.memory_space<vmem>>
    tpu.enqueue_dma source(%dma_start3A_77 : memref<320x128xf32, #tpu.memory_space<vmem>>) target(%dma_start3A_73 : memref<320x128xf32, #tpu.memory_space<hbm>>) target_semaphore(%arg10 : memref<!tpu.dma_semaphore, #tpu.memory_space<semaphore_mem>>)
    %dma_wait3A_78 = arith.constant 1 : i32
    %dma_wait3A_79 = arith.constant 0 : i32
    %dma_wait3A_80 = arith.constant 0 : i32
    %dma_wait3A_81 = tpu.memref_slice %arg6[%dma_wait3A_78, %dma_wait3A_79, %dma_wait3A_80] : memref<3x320x128xf32, #tpu.memory_space<vmem>> -> memref<1x320x128xf32, #tpu.memory_space<vmem>>
    %dma_wait3A_82 = tpu.memref_squeeze %dma_wait3A_81 : memref<1x320x128xf32, #tpu.memory_space<vmem>> -> memref<320x128xf32, #tpu.memory_space<vmem>>
    %dma_wait3A_83 = arith.constant 0 : i32
    %dma_wait3A_84 = arith.constant 0 : i32
    %dma_wait3A_85 = tpu.memref_slice %arg3[%dma_wait3A_83, %dma_wait3A_84] : memref<100000x128xf32, #tpu.memory_space<hbm>> -> memref<320x128xf32, #tpu.memory_space<hbm>>
    %dma_wait3A_86 = arith.constant 0 : i32
    %dma_wait3A_87 = arith.constant 0 : i32
    %dma_wait3A_88 = tpu.memref_slice %arg6[%dma_wait3A_78, %dma_wait3A_86, %dma_wait3A_87] : memref<3x320x128xf32, #tpu.memory_space<vmem>> -> memref<1x320x128xf32, #tpu.memory_space<vmem>>
    %dma_wait3A_89 = tpu.memref_squeeze %dma_wait3A_88 : memref<1x320x128xf32, #tpu.memory_space<vmem>> -> memref<320x128xf32, #tpu.memory_space<vmem>>
    %dma_wait3A_90 = arith.constant 0 : i32
    %dma_wait3A_91 = arith.constant 0 : i32
    %dma_wait3A_92 = tpu.memref_slice %arg3[%dma_wait3A_90, %dma_wait3A_91] : memref<100000x128xf32, #tpu.memory_space<hbm>> -> memref<320x128xf32, #tpu.memory_space<hbm>>
    tpu.wait_dma2 semaphore(%arg8 : memref<!tpu.dma_semaphore, #tpu.memory_space<semaphore_mem>>) src(%dma_wait3A_92 : memref<320x128xf32, #tpu.memory_space<hbm>>) dst(%dma_wait3A_89 : memref<320x128xf32, #tpu.memory_space<vmem>>)
    %dma_wait3A_93 = arith.constant 0 : i32
    %dma_wait3A_94 = arith.constant 0 : i32
    %dma_wait3A_95 = arith.constant 0 : i32
    %dma_wait3A_96 = tpu.memref_slice %arg6[%dma_wait3A_93, %dma_wait3A_94, %dma_wait3A_95] : memref<3x320x128xf32, #tpu.memory_space<vmem>> -> memref<1x320x128xf32, #tpu.memory_space<vmem>>
    %dma_wait3A_97 = tpu.memref_squeeze %dma_wait3A_96 : memref<1x320x128xf32, #tpu.memory_space<vmem>> -> memref<320x128xf32, #tpu.memory_space<vmem>>
    %dma_wait3A_98 = arith.constant 0 : i32
    %dma_wait3A_99 = tpu.memref_slice %arg4[%mul3A_2, %dma_wait3A_98] : memref<204800x128xf32, #tpu.memory_space<hbm>> -> memref<320x128xf32, #tpu.memory_space<hbm>>
    %dma_wait3A_100 = arith.constant 0 : i32
    %dma_wait3A_101 = tpu.memref_slice %arg4[%mul3A_2, %dma_wait3A_100] : memref<204800x128xf32, #tpu.memory_space<hbm>> -> memref<320x128xf32, #tpu.memory_space<hbm>>
    %dma_wait3A_102 = arith.constant 0 : i32
    %dma_wait3A_103 = arith.constant 0 : i32
    %dma_wait3A_104 = tpu.memref_slice %arg6[%dma_wait3A_93, %dma_wait3A_102, %dma_wait3A_103] : memref<3x320x128xf32, #tpu.memory_space<vmem>> -> memref<1x320x128xf32, #tpu.memory_space<vmem>>
    %dma_wait3A_105 = tpu.memref_squeeze %dma_wait3A_104 : memref<1x320x128xf32, #tpu.memory_space<vmem>> -> memref<320x128xf32, #tpu.memory_space<vmem>>
    tpu.wait_dma2 semaphore(%arg10 : memref<!tpu.dma_semaphore, #tpu.memory_space<semaphore_mem>>) src(%dma_wait3A_105 : memref<320x128xf32, #tpu.memory_space<vmem>>) dst(%dma_wait3A_101 : memref<320x128xf32, #tpu.memory_space<hbm>>)
    %dma_start3A_106 = arith.constant 0 : i32
    %dma_start3A_107 = arith.constant 0 : i32
    %dma_start3A_108 = arith.constant 0 : i32
    %dma_start3A_109 = tpu.memref_slice %arg6[%dma_start3A_106, %dma_start3A_107, %dma_start3A_108] : memref<3x320x128xf32, #tpu.memory_space<vmem>> -> memref<1x320x128xf32, #tpu.memory_space<vmem>>
    %dma_start3A_110 = tpu.memref_squeeze %dma_start3A_109 : memref<1x320x128xf32, #tpu.memory_space<vmem>> -> memref<320x128xf32, #tpu.memory_space<vmem>>
    %dma_start3A_111 = arith.constant 5760 : i32
    %dma_start3A_112 = tpu.memref_slice %arg5[%dma_start3A_111] : memref<6400xi32, #tpu.memory_space<vmem>> -> memref<320xi32, #tpu.memory_space<vmem>>
    %dma_start3A_113 = arith.constant 0 : i32
    %dma_start3A_114 = arith.constant 0 : i32
    %dma_start3A_115 = tpu.memref_slice %arg3[%dma_start3A_113, %dma_start3A_114] : memref<100000x128xf32, #tpu.memory_space<hbm>> -> memref<100000x128xf32, #tpu.memory_space<hbm>>
    tpu.enqueue_indirect_dma source(%dma_start3A_115 : memref<100000x128xf32, #tpu.memory_space<hbm>>) target(%dma_start3A_110 : memref<320x128xf32, #tpu.memory_space<vmem>>) offsets(%dma_start3A_112 : memref<320xi32, #tpu.memory_space<vmem>>) semaphore(%arg7 : memref<!tpu.dma_semaphore, #tpu.memory_space<semaphore_mem>>)
    %add3A_116 = arith.constant 5120 : i32
    %add3A_117 = arith.addi %mul3A_2, %add3A_116 : i32
    %dma_start3A_118 = arith.constant 1 : i32
    %dma_start3A_119 = arith.constant 0 : i32
    %dma_start3A_120 = arith.constant 0 : i32
    %dma_start3A_121 = tpu.memref_slice %arg6[%dma_start3A_118, %dma_start3A_119, %dma_start3A_120] : memref<3x320x128xf32, #tpu.memory_space<vmem>> -> memref<1x320x128xf32, #tpu.memory_space<vmem>>
    %dma_start3A_122 = tpu.memref_squeeze %dma_start3A_121 : memref<1x320x128xf32, #tpu.memory_space<vmem>> -> memref<320x128xf32, #tpu.memory_space<vmem>>
    %dma_start3A_123 = arith.constant 0 : i32
    %dma_start3A_124 = tpu.memref_slice %arg4[%add3A_117, %dma_start3A_123] : memref<204800x128xf32, #tpu.memory_space<hbm>> -> memref<320x128xf32, #tpu.memory_space<hbm>>
    %dma_start3A_125 = arith.constant 0 : i32
    %dma_start3A_126 = tpu.memref_slice %arg4[%add3A_117, %dma_start3A_125] : memref<204800x128xf32, #tpu.memory_space<hbm>> -> memref<320x128xf32, #tpu.memory_space<hbm>>
    %dma_start3A_127 = arith.constant 0 : i32
    %dma_start3A_128 = arith.constant 0 : i32
    %dma_start3A_129 = tpu.memref_slice %arg6[%dma_start3A_118, %dma_start3A_127, %dma_start3A_128] : memref<3x320x128xf32, #tpu.memory_space<vmem>> -> memref<1x320x128xf32, #tpu.memory_space<vmem>>
    %dma_start3A_130 = tpu.memref_squeeze %dma_start3A_129 : memref<1x320x128xf32, #tpu.memory_space<vmem>> -> memref<320x128xf32, #tpu.memory_space<vmem>>
    tpu.enqueue_dma source(%dma_start3A_130 : memref<320x128xf32, #tpu.memory_space<vmem>>) target(%dma_start3A_126 : memref<320x128xf32, #tpu.memory_space<hbm>>) target_semaphore(%arg11 : memref<!tpu.dma_semaphore, #tpu.memory_space<semaphore_mem>>)
    %dma_wait3A_131 = arith.constant 2 : i32
    %dma_wait3A_132 = arith.constant 0 : i32
    %dma_wait3A_133 = arith.constant 0 : i32
    %dma_wait3A_134 = tpu.memref_slice %arg6[%dma_wait3A_131, %dma_wait3A_132, %dma_wait3A_133] : memref<3x320x128xf32, #tpu.memory_space<vmem>> -> memref<1x320x128xf32, #tpu.memory_space<vmem>>
    %dma_wait3A_135 = tpu.memref_squeeze %dma_wait3A_134 : memref<1x320x128xf32, #tpu.memory_space<vmem>> -> memref<320x128xf32, #tpu.memory_space<vmem>>
    %dma_wait3A_136 = arith.constant 0 : i32
    %dma_wait3A_137 = arith.constant 0 : i32
    %dma_wait3A_138 = tpu.memref_slice %arg3[%dma_wait3A_136, %dma_wait3A_137] : memref<100000x128xf32, #tpu.memory_space<hbm>> -> memref<320x128xf32, #tpu.memory_space<hbm>>
    %dma_wait3A_139 = arith.constant 0 : i32
    %dma_wait3A_140 = arith.constant 0 : i32
    %dma_wait3A_141 = tpu.memref_slice %arg6[%dma_wait3A_131, %dma_wait3A_139, %dma_wait3A_140] : memref<3x320x128xf32, #tpu.memory_space<vmem>> -> memref<1x320x128xf32, #tpu.memory_space<vmem>>
    %dma_wait3A_142 = tpu.memref_squeeze %dma_wait3A_141 : memref<1x320x128xf32, #tpu.memory_space<vmem>> -> memref<320x128xf32, #tpu.memory_space<vmem>>
    %dma_wait3A_143 = arith.constant 0 : i32
    %dma_wait3A_144 = arith.constant 0 : i32
    %dma_wait3A_145 = tpu.memref_slice %arg3[%dma_wait3A_143, %dma_wait3A_144] : memref<100000x128xf32, #tpu.memory_space<hbm>> -> memref<320x128xf32, #tpu.memory_space<hbm>>
    tpu.wait_dma2 semaphore(%arg9 : memref<!tpu.dma_semaphore, #tpu.memory_space<semaphore_mem>>) src(%dma_wait3A_145 : memref<320x128xf32, #tpu.memory_space<hbm>>) dst(%dma_wait3A_142 : memref<320x128xf32, #tpu.memory_space<vmem>>)
    %dma_wait3A_146 = arith.constant 1 : i32
    %dma_wait3A_147 = arith.constant 0 : i32
    %dma_wait3A_148 = arith.constant 0 : i32
    %dma_wait3A_149 = tpu.memref_slice %arg6[%dma_wait3A_146, %dma_wait3A_147, %dma_wait3A_148] : memref<3x320x128xf32, #tpu.memory_space<vmem>> -> memref<1x320x128xf32, #tpu.memory_space<vmem>>
    %dma_wait3A_150 = tpu.memref_squeeze %dma_wait3A_149 : memref<1x320x128xf32, #tpu.memory_space<vmem>> -> memref<320x128xf32, #tpu.memory_space<vmem>>
    %dma_wait3A_151 = arith.constant 0 : i32
    %dma_wait3A_152 = tpu.memref_slice %arg4[%mul3A_2, %dma_wait3A_151] : memref<204800x128xf32, #tpu.memory_space<hbm>> -> memref<320x128xf32, #tpu.memory_space<hbm>>
    %dma_wait3A_153 = arith.constant 0 : i32
    %dma_wait3A_154 = tpu.memref_slice %arg4[%mul3A_2, %dma_wait3A_153] : memref<204800x128xf32, #tpu.memory_space<hbm>> -> memref<320x128xf32, #tpu.memory_space<hbm>>
    %dma_wait3A_155 = arith.constant 0 : i32
    %dma_wait3A_156 = arith.constant 0 : i32
    %dma_wait3A_157 = tpu.memref_slice %arg6[%dma_wait3A_146, %dma_wait3A_155, %dma_wait3A_156] : memref<3x320x128xf32, #tpu.memory_space<vmem>> -> memref<1x320x128xf32, #tpu.memory_space<vmem>>
    %dma_wait3A_158 = tpu.memref_squeeze %dma_wait3A_157 : memref<1x320x128xf32, #tpu.memory_space<vmem>> -> memref<320x128xf32, #tpu.memory_space<vmem>>
    tpu.wait_dma2 semaphore(%arg11 : memref<!tpu.dma_semaphore, #tpu.memory_space<semaphore_mem>>) src(%dma_wait3A_158 : memref<320x128xf32, #tpu.memory_space<vmem>>) dst(%dma_wait3A_154 : memref<320x128xf32, #tpu.memory_space<hbm>>)
    %dma_start3A_159 = arith.constant 1 : i32
    %dma_start3A_160 = arith.constant 0 : i32
    %dma_start3A_161 = arith.constant 0 : i32
    %dma_start3A_162 = tpu.memref_slice %arg6[%dma_start3A_159, %dma_start3A_160, %dma_start3A_161] : memref<3x320x128xf32, #tpu.memory_space<vmem>> -> memref<1x320x128xf32, #tpu.memory_space<vmem>>
    %dma_start3A_163 = tpu.memref_squeeze %dma_start3A_162 : memref<1x320x128xf32, #tpu.memory_space<vmem>> -> memref<320x128xf32, #tpu.memory_space<vmem>>
    %dma_start3A_164 = arith.constant 6080 : i32
    %dma_start3A_165 = tpu.memref_slice %arg5[%dma_start3A_164] : memref<6400xi32, #tpu.memory_space<vmem>> -> memref<320xi32, #tpu.memory_space<vmem>>
    %dma_start3A_166 = arith.constant 0 : i32
    %dma_start3A_167 = arith.constant 0 : i32
    %dma_start3A_168 = tpu.memref_slice %arg3[%dma_start3A_166, %dma_start3A_167] : memref<100000x128xf32, #tpu.memory_space<hbm>> -> memref<100000x128xf32, #tpu.memory_space<hbm>>
    tpu.enqueue_indirect_dma source(%dma_start3A_168 : memref<100000x128xf32, #tpu.memory_space<hbm>>) target(%dma_start3A_163 : memref<320x128xf32, #tpu.memory_space<vmem>>) offsets(%dma_start3A_165 : memref<320xi32, #tpu.memory_space<vmem>>) semaphore(%arg8 : memref<!tpu.dma_semaphore, #tpu.memory_space<semaphore_mem>>)
    %add3A_169 = arith.constant 5440 : i32
    %add3A_170 = arith.addi %mul3A_2, %add3A_169 : i32
    %dma_start3A_171 = arith.constant 2 : i32
    %dma_start3A_172 = arith.constant 0 : i32
    %dma_start3A_173 = arith.constant 0 : i32
    %dma_start3A_174 = tpu.memref_slice %arg6[%dma_start3A_171, %dma_start3A_172, %dma_start3A_173] : memref<3x320x128xf32, #tpu.memory_space<vmem>> -> memref<1x320x128xf32, #tpu.memory_space<vmem>>
    %dma_start3A_175 = tpu.memref_squeeze %dma_start3A_174 : memref<1x320x128xf32, #tpu.memory_space<vmem>> -> memref<320x128xf32, #tpu.memory_space<vmem>>
    %dma_start3A_176 = arith.constant 0 : i32
    %dma_start3A_177 = tpu.memref_slice %arg4[%add3A_170, %dma_start3A_176] : memref<204800x128xf32, #tpu.memory_space<hbm>> -> memref<320x128xf32, #tpu.memory_space<hbm>>
    %dma_start3A_178 = arith.constant 0 : i32
    %dma_start3A_179 = tpu.memref_slice %arg4[%add3A_170, %dma_start3A_178] : memref<204800x128xf32, #tpu.memory_space<hbm>> -> memref<320x128xf32, #tpu.memory_space<hbm>>
    %dma_start3A_180 = arith.constant 0 : i32
    %dma_start3A_181 = arith.constant 0 : i32
    %dma_start3A_182 = tpu.memref_slice %arg6[%dma_start3A_171, %dma_start3A_180, %dma_start3A_181] : memref<3x320x128xf32, #tpu.memory_space<vmem>> -> memref<1x320x128xf32, #tpu.memory_space<vmem>>
    %dma_start3A_183 = tpu.memref_squeeze %dma_start3A_182 : memref<1x320x128xf32, #tpu.memory_space<vmem>> -> memref<320x128xf32, #tpu.memory_space<vmem>>
    tpu.enqueue_dma source(%dma_start3A_183 : memref<320x128xf32, #tpu.memory_space<vmem>>) target(%dma_start3A_179 : memref<320x128xf32, #tpu.memory_space<hbm>>) target_semaphore(%arg12 : memref<!tpu.dma_semaphore, #tpu.memory_space<semaphore_mem>>)
    %dma_wait3A_184 = arith.constant 0 : i32
    %dma_wait3A_185 = arith.constant 0 : i32
    %dma_wait3A_186 = arith.constant 0 : i32
    %dma_wait3A_187 = tpu.memref_slice %arg6[%dma_wait3A_184, %dma_wait3A_185, %dma_wait3A_186] : memref<3x320x128xf32, #tpu.memory_space<vmem>> -> memref<1x320x128xf32, #tpu.memory_space<vmem>>
    %dma_wait3A_188 = tpu.memref_squeeze %dma_wait3A_187 : memref<1x320x128xf32, #tpu.memory_space<vmem>> -> memref<320x128xf32, #tpu.memory_space<vmem>>
    %dma_wait3A_189 = arith.constant 0 : i32
    %dma_wait3A_190 = arith.constant 0 : i32
    %dma_wait3A_191 = tpu.memref_slice %arg3[%dma_wait3A_189, %dma_wait3A_190] : memref<100000x128xf32, #tpu.memory_space<hbm>> -> memref<320x128xf32, #tpu.memory_space<hbm>>
    %dma_wait3A_192 = arith.constant 0 : i32
    %dma_wait3A_193 = arith.constant 0 : i32
    %dma_wait3A_194 = tpu.memref_slice %arg6[%dma_wait3A_184, %dma_wait3A_192, %dma_wait3A_193] : memref<3x320x128xf32, #tpu.memory_space<vmem>> -> memref<1x320x128xf32, #tpu.memory_space<vmem>>
    %dma_wait3A_195 = tpu.memref_squeeze %dma_wait3A_194 : memref<1x320x128xf32, #tpu.memory_space<vmem>> -> memref<320x128xf32, #tpu.memory_space<vmem>>
    %dma_wait3A_196 = arith.constant 0 : i32
    %dma_wait3A_197 = arith.constant 0 : i32
    %dma_wait3A_198 = tpu.memref_slice %arg3[%dma_wait3A_196, %dma_wait3A_197] : memref<100000x128xf32, #tpu.memory_space<hbm>> -> memref<320x128xf32, #tpu.memory_space<hbm>>
    tpu.wait_dma2 semaphore(%arg7 : memref<!tpu.dma_semaphore, #tpu.memory_space<semaphore_mem>>) src(%dma_wait3A_198 : memref<320x128xf32, #tpu.memory_space<hbm>>) dst(%dma_wait3A_195 : memref<320x128xf32, #tpu.memory_space<vmem>>)
    %dma_wait3A_199 = arith.constant 2 : i32
    %dma_wait3A_200 = arith.constant 0 : i32
    %dma_wait3A_201 = arith.constant 0 : i32
    %dma_wait3A_202 = tpu.memref_slice %arg6[%dma_wait3A_199, %dma_wait3A_200, %dma_wait3A_201] : memref<3x320x128xf32, #tpu.memory_space<vmem>> -> memref<1x320x128xf32, #tpu.memory_space<vmem>>
    %dma_wait3A_203 = tpu.memref_squeeze %dma_wait3A_202 : memref<1x320x128xf32, #tpu.memory_space<vmem>> -> memref<320x128xf32, #tpu.memory_space<vmem>>
    %dma_wait3A_204 = arith.constant 0 : i32
    %dma_wait3A_205 = tpu.memref_slice %arg4[%mul3A_2, %dma_wait3A_204] : memref<204800x128xf32, #tpu.memory_space<hbm>> -> memref<320x128xf32, #tpu.memory_space<hbm>>
    %dma_wait3A_206 = arith.constant 0 : i32
    %dma_wait3A_207 = tpu.memref_slice %arg4[%mul3A_2, %dma_wait3A_206] : memref<204800x128xf32, #tpu.memory_space<hbm>> -> memref<320x128xf32, #tpu.memory_space<hbm>>
    %dma_wait3A_208 = arith.constant 0 : i32
    %dma_wait3A_209 = arith.constant 0 : i32
    %dma_wait3A_210 = tpu.memref_slice %arg6[%dma_wait3A_199, %dma_wait3A_208, %dma_wait3A_209] : memref<3x320x128xf32, #tpu.memory_space<vmem>> -> memref<1x320x128xf32, #tpu.memory_space<vmem>>
    %dma_wait3A_211 = tpu.memref_squeeze %dma_wait3A_210 : memref<1x320x128xf32, #tpu.memory_space<vmem>> -> memref<320x128xf32, #tpu.memory_space<vmem>>
    tpu.wait_dma2 semaphore(%arg12 : memref<!tpu.dma_semaphore, #tpu.memory_space<semaphore_mem>>) src(%dma_wait3A_211 : memref<320x128xf32, #tpu.memory_space<vmem>>) dst(%dma_wait3A_207 : memref<320x128xf32, #tpu.memory_space<hbm>>)
    %add3A_212 = arith.constant 5760 : i32
    %add3A_213 = arith.addi %mul3A_2, %add3A_212 : i32
    %dma_start3A_214 = arith.constant 0 : i32
    %dma_start3A_215 = arith.constant 0 : i32
    %dma_start3A_216 = arith.constant 0 : i32
    %dma_start3A_217 = tpu.memref_slice %arg6[%dma_start3A_214, %dma_start3A_215, %dma_start3A_216] : memref<3x320x128xf32, #tpu.memory_space<vmem>> -> memref<1x320x128xf32, #tpu.memory_space<vmem>>
    %dma_start3A_218 = tpu.memref_squeeze %dma_start3A_217 : memref<1x320x128xf32, #tpu.memory_space<vmem>> -> memref<320x128xf32, #tpu.memory_space<vmem>>
    %dma_start3A_219 = arith.constant 0 : i32
    %dma_start3A_220 = tpu.memref_slice %arg4[%add3A_213, %dma_start3A_219] : memref<204800x128xf32, #tpu.memory_space<hbm>> -> memref<320x128xf32, #tpu.memory_space<hbm>>
    %dma_start3A_221 = arith.constant 0 : i32
    %dma_start3A_222 = tpu.memref_slice %arg4[%add3A_213, %dma_start3A_221] : memref<204800x128xf32, #tpu.memory_space<hbm>> -> memref<320x128xf32, #tpu.memory_space<hbm>>
    %dma_start3A_223 = arith.constant 0 : i32
    %dma_start3A_224 = arith.constant 0 : i32
    %dma_start3A_225 = tpu.memref_slice %arg6[%dma_start3A_214, %dma_start3A_223, %dma_start3A_224] : memref<3x320x128xf32, #tpu.memory_space<vmem>> -> memref<1x320x128xf32, #tpu.memory_space<vmem>>
    %dma_start3A_226 = tpu.memref_squeeze %dma_start3A_225 : memref<1x320x128xf32, #tpu.memory_space<vmem>> -> memref<320x128xf32, #tpu.memory_space<vmem>>
    tpu.enqueue_dma source(%dma_start3A_226 : memref<320x128xf32, #tpu.memory_space<vmem>>) target(%dma_start3A_222 : memref<320x128xf32, #tpu.memory_space<hbm>>) target_semaphore(%arg10 : memref<!tpu.dma_semaphore, #tpu.memory_space<semaphore_mem>>)
    %dma_wait3A_227 = arith.constant 1 : i32
    %dma_wait3A_228 = arith.constant 0 : i32
    %dma_wait3A_229 = arith.constant 0 : i32
    %dma_wait3A_230 = tpu.memref_slice %arg6[%dma_wait3A_227, %dma_wait3A_228, %dma_wait3A_229] : memref<3x320x128xf32, #tpu.memory_space<vmem>> -> memref<1x320x128xf32, #tpu.memory_space<vmem>>
    %dma_wait3A_231 = tpu.memref_squeeze %dma_wait3A_230 : memref<1x320x128xf32, #tpu.memory_space<vmem>> -> memref<320x128xf32, #tpu.memory_space<vmem>>
    %dma_wait3A_232 = arith.constant 0 : i32
    %dma_wait3A_233 = arith.constant 0 : i32
    %dma_wait3A_234 = tpu.memref_slice %arg3[%dma_wait3A_232, %dma_wait3A_233] : memref<100000x128xf32, #tpu.memory_space<hbm>> -> memref<320x128xf32, #tpu.memory_space<hbm>>
    %dma_wait3A_235 = arith.constant 0 : i32
    %dma_wait3A_236 = arith.constant 0 : i32
    %dma_wait3A_237 = tpu.memref_slice %arg6[%dma_wait3A_227, %dma_wait3A_235, %dma_wait3A_236] : memref<3x320x128xf32, #tpu.memory_space<vmem>> -> memref<1x320x128xf32, #tpu.memory_space<vmem>>
    %dma_wait3A_238 = tpu.memref_squeeze %dma_wait3A_237 : memref<1x320x128xf32, #tpu.memory_space<vmem>> -> memref<320x128xf32, #tpu.memory_space<vmem>>
    %dma_wait3A_239 = arith.constant 0 : i32
    %dma_wait3A_240 = arith.constant 0 : i32
    %dma_wait3A_241 = tpu.memref_slice %arg3[%dma_wait3A_239, %dma_wait3A_240] : memref<100000x128xf32, #tpu.memory_space<hbm>> -> memref<320x128xf32, #tpu.memory_space<hbm>>
    tpu.wait_dma2 semaphore(%arg8 : memref<!tpu.dma_semaphore, #tpu.memory_space<semaphore_mem>>) src(%dma_wait3A_241 : memref<320x128xf32, #tpu.memory_space<hbm>>) dst(%dma_wait3A_238 : memref<320x128xf32, #tpu.memory_space<vmem>>)
    %dma_wait3A_242 = arith.constant 0 : i32
    %dma_wait3A_243 = arith.constant 0 : i32
    %dma_wait3A_244 = arith.constant 0 : i32
    %dma_wait3A_245 = tpu.memref_slice %arg6[%dma_wait3A_242, %dma_wait3A_243, %dma_wait3A_244] : memref<3x320x128xf32, #tpu.memory_space<vmem>> -> memref<1x320x128xf32, #tpu.memory_space<vmem>>
    %dma_wait3A_246 = tpu.memref_squeeze %dma_wait3A_245 : memref<1x320x128xf32, #tpu.memory_space<vmem>> -> memref<320x128xf32, #tpu.memory_space<vmem>>
    %dma_wait3A_247 = arith.constant 0 : i32
    %dma_wait3A_248 = tpu.memref_slice %arg4[%mul3A_2, %dma_wait3A_247] : memref<204800x128xf32, #tpu.memory_space<hbm>> -> memref<320x128xf32, #tpu.memory_space<hbm>>
    %dma_wait3A_249 = arith.constant 0 : i32
    %dma_wait3A_250 = tpu.memref_slice %arg4[%mul3A_2, %dma_wait3A_249] : memref<204800x128xf32, #tpu.memory_space<hbm>> -> memref<320x128xf32, #tpu.memory_space<hbm>>
    %dma_wait3A_251 = arith.constant 0 : i32
    %dma_wait3A_252 = arith.constant 0 : i32
    %dma_wait3A_253 = tpu.memref_slice %arg6[%dma_wait3A_242, %dma_wait3A_251, %dma_wait3A_252] : memref<3x320x128xf32, #tpu.memory_space<vmem>> -> memref<1x320x128xf32, #tpu.memory_space<vmem>>
    %dma_wait3A_254 = tpu.memref_squeeze %dma_wait3A_253 : memref<1x320x128xf32, #tpu.memory_space<vmem>> -> memref<320x128xf32, #tpu.memory_space<vmem>>
    tpu.wait_dma2 semaphore(%arg10 : memref<!tpu.dma_semaphore, #tpu.memory_space<semaphore_mem>>) src(%dma_wait3A_254 : memref<320x128xf32, #tpu.memory_space<vmem>>) dst(%dma_wait3A_250 : memref<320x128xf32, #tpu.memory_space<hbm>>)
    %add3A_255 = arith.constant 6080 : i32
    %add3A_256 = arith.addi %mul3A_2, %add3A_255 : i32
    %dma_start3A_257 = arith.constant 1 : i32
    %dma_start3A_258 = arith.constant 0 : i32
    %dma_start3A_259 = arith.constant 0 : i32
    %dma_start3A_260 = tpu.memref_slice %arg6[%dma_start3A_257, %dma_start3A_258, %dma_start3A_259] : memref<3x320x128xf32, #tpu.memory_space<vmem>> -> memref<1x320x128xf32, #tpu.memory_space<vmem>>
    %dma_start3A_261 = tpu.memref_squeeze %dma_start3A_260 : memref<1x320x128xf32, #tpu.memory_space<vmem>> -> memref<320x128xf32, #tpu.memory_space<vmem>>
    %dma_start3A_262 = arith.constant 0 : i32
    %dma_start3A_263 = tpu.memref_slice %arg4[%add3A_256, %dma_start3A_262] : memref<204800x128xf32, #tpu.memory_space<hbm>> -> memref<320x128xf32, #tpu.memory_space<hbm>>
    %dma_start3A_264 = arith.constant 0 : i32
    %dma_start3A_265 = tpu.memref_slice %arg4[%add3A_256, %dma_start3A_264] : memref<204800x128xf32, #tpu.memory_space<hbm>> -> memref<320x128xf32, #tpu.memory_space<hbm>>
    %dma_start3A_266 = arith.constant 0 : i32
    %dma_start3A_267 = arith.constant 0 : i32
    %dma_start3A_268 = tpu.memref_slice %arg6[%dma_start3A_257, %dma_start3A_266, %dma_start3A_267] : memref<3x320x128xf32, #tpu.memory_space<vmem>> -> memref<1x320x128xf32, #tpu.memory_space<vmem>>
    %dma_start3A_269 = tpu.memref_squeeze %dma_start3A_268 : memref<1x320x128xf32, #tpu.memory_space<vmem>> -> memref<320x128xf32, #tpu.memory_space<vmem>>
    tpu.enqueue_dma source(%dma_start3A_269 : memref<320x128xf32, #tpu.memory_space<vmem>>) target(%dma_start3A_265 : memref<320x128xf32, #tpu.memory_space<hbm>>) target_semaphore(%arg11 : memref<!tpu.dma_semaphore, #tpu.memory_space<semaphore_mem>>)
    %dma_wait3A_270 = arith.constant 1 : i32
    %dma_wait3A_271 = arith.constant 0 : i32
    %dma_wait3A_272 = arith.constant 0 : i32
    %dma_wait3A_273 = tpu.memref_slice %arg6[%dma_wait3A_270, %dma_wait3A_271, %dma_wait3A_272] : memref<3x320x128xf32, #tpu.memory_space<vmem>> -> memref<1x320x128xf32, #tpu.memory_space<vmem>>
    %dma_wait3A_274 = tpu.memref_squeeze %dma_wait3A_273 : memref<1x320x128xf32, #tpu.memory_space<vmem>> -> memref<320x128xf32, #tpu.memory_space<vmem>>
    %dma_wait3A_275 = arith.constant 0 : i32
    %dma_wait3A_276 = tpu.memref_slice %arg4[%mul3A_2, %dma_wait3A_275] : memref<204800x128xf32, #tpu.memory_space<hbm>> -> memref<320x128xf32, #tpu.memory_space<hbm>>
    %dma_wait3A_277 = arith.constant 0 : i32
    %dma_wait3A_278 = tpu.memref_slice %arg4[%mul3A_2, %dma_wait3A_277] : memref<204800x128xf32, #tpu.memory_space<hbm>> -> memref<320x128xf32, #tpu.memory_space<hbm>>
    %dma_wait3A_279 = arith.constant 0 : i32
    %dma_wait3A_280 = arith.constant 0 : i32
    %dma_wait3A_281 = tpu.memref_slice %arg6[%dma_wait3A_270, %dma_wait3A_279, %dma_wait3A_280] : memref<3x320x128xf32, #tpu.memory_space<vmem>> -> memref<1x320x128xf32, #tpu.memory_space<vmem>>
    %dma_wait3A_282 = tpu.memref_squeeze %dma_wait3A_281 : memref<1x320x128xf32, #tpu.memory_space<vmem>> -> memref<320x128xf32, #tpu.memory_space<vmem>>
    tpu.wait_dma2 semaphore(%arg11 : memref<!tpu.dma_semaphore, #tpu.memory_space<semaphore_mem>>) src(%dma_wait3A_282 : memref<320x128xf32, #tpu.memory_space<vmem>>) dst(%dma_wait3A_278 : memref<320x128xf32, #tpu.memory_space<hbm>>)
    return
  }
}

</mosaic_0001>

<sc_bundles>
// kernel: kernel.3.cloned.1.call-start
scs
__scs_entry_jumppad:
0x0: {  	(pc) =	sbr.rel $0x88, $3  }
0x1: {  	(tag) =	ssettag $0x0;
	lr =	simm.s32 $0x1  }
0x2: {  	[smem:$0x3F9F] =	sst lr;
	_ =	strace $0xD0000000  }
0x3: {  	_ = 	snop  }
0x4: {  	_ = 	snop  }
0x5: {  	_ = 	snop  }
0x6: {  	_ = 	snop  }
0x7: {  	_ = 	snop  }
__scs_overlays_trampoline_lowered:
0x8: {  	[smem:$0x3FAE] =	sst s0  }
0x9: {  	[smem:$0x3FAF] =	sst s1  }
0xa: {  	[smem:$0x3FB0] =	sst s2  }
0xb: {  	[smem:$0x3FB1] =	sst s3  }
0xc: {  	[smem:$0x3FB2] =	sst s4  }
0xd: {  	[smem:$0x3FB3] =	sst s5  }
0xe: {  	[smem:$0x3FB4] =	sst s6  }
0xf: {  	[smem:$0x3FB5] =	sst s7  }
0x10: {  	[smem:$0x3FB6] =	sst s8  }
0x11: {  	[smem:$0x3FB7] =	sst s9;
	s0 =	simm.s32 @!p0 $0x0  }
0x12: {  	s1 =	sld [smem:$0x3F9D];
	s0 =	simm.s32 @p0 $0x1  }
0x13: {  	[smem:$0x3FB8] =	sst s0;
	s0 =	simm.s32 @!p1 $0x0  }
0x14: {  	s2 =	sld [smem:$0x3F9C];
	s0 =	simm.s32 @p1 $0x1  }
0x15: {  	[smem:$0x3FB9] =	sst s0;
	s0 =	simm.s32 @!p2 $0x0  }
0x16: {  	s3 =	sld [smem:$0x3FDB];
	s0 =	simm.s32 @p2 $0x1  }
0x17: {  	s4 =	simm.s32 $0x1BF5;
	[smem:$0x3FBB] =	sst s0  }
0x18: {  	s0 =	sld [smem:$0x3F9E];
	_ =	swait.ge [sflag:s4], $0x0  }
0x19: {  	s7 =	sld [smem:$0x3F9F]  }
0x1a: {  	s8 =	sadd.s32 $0xFFFFE003, lr  }
0x1b: {  	s9 =	sadd.s32 $0xFFFFFEF7, lr;
	s5 =	simm.s32 $0xFFFFFFFF;
	p2 =	slt.u32 s8, $0xFFFFF086  }
0x1c: {  	p1 =	slt.u32 s9, $0xF7A;
	s5 =	simm.s32 @!p2 $0x0  }
0x1d: {  	s5 =	simm.s32 @p1 $0x1;
	p0 =	seq.s32 s7, s2  }
0x1e: {  	s7 =	smul.u32 @!p0 $0xF7A, s2;
	p2 =	seq.s32 @!p0 s5, $0x0  }
0x1f: {  	s9 =	smul.u32 $0xF7A, s1;
	s8 =	simm.s32 @!p0 $0x1BF5;
	p2 =	por !p2, p0  }
0x20: {  	[sflag:s8] =	ssyncset.s32 @!p0 $0xFFFFF086;
	s6 =	sadd.s32 @!p0 s3, s7;
	s7 =	simm.s32 @!p0 $0x108  }
0x21: {  	s3 =	sadd.s32 s3, s9;
	s6 =	sadd.s32 @!p0 $0x88, s6;
	s7 =	simm.s32 @p2 $0x1082  }
0x22: {  	[simem:s7], [sflag:s8] =	dma.local @!p0 [hbm:s6], $0xF7A  }
0x23: {  	s9 =	sor.u32 $0xD0000000, s2;
	s6 =	simm.s32 $0x108;
	_ =	swait.ge @!p0 [sflag:s8], $0x0  }
0x24: {  	s3 =	sadd.s32 $0x88, s3;
	s6 =	simm.s32 @!p1 $0x1082;
	[sflag:s4] =	ssyncset.s32 $0xFFFFF086  }
0x25: {  	[simem:s6], [sflag:s4] =	dma.local [hbm:s3], $0xF7A  }
0x26: {  	[smem:$0x3F9F] =	sst s1;
	(tag) =	ssettag s2;
	_ =	strace s9  }
0x27: {  	s1 =	sld [smem:$0x3FAF]  }
0x28: {  	s2 =	sld [smem:$0x3FB0]  }
0x29: {  	s4 =	sld [smem:$0x3FB2]  }
0x2a: {  	p0 =	seq.s32 s5, $0x0;
	s5 =	sld [smem:$0x3FB3]  }
0x2b: {  	s6 =	sld [smem:$0x3FB4]  }
0x2c: {  	s7 =	sld [smem:$0x3FB5]  }
0x2d: {  	s3 =	simm.s32 $0x108;
	s8 =	sld [smem:$0x3FB6]  }
0x2e: {  	s3 =	simm.s32 @!p0 $0x1082;
	s9 =	sld [smem:$0x3FB7]  }
0x2f: {  	lr =	sadd.s32 s0, s3;
	s0 =	sld [smem:$0x3FAE]  }
0x30: {  	s3 =	sld [smem:$0x3FB1]  }
0x31: {  	[smem:$0x3FBA] =	sst s10  }
0x32: {  	s10 =	sld [smem:$0x3FB8];
	_ =	sdelay $0x3  }
0x33: {  	p0 =	seq.s32 s10, $0x1;
	s10 =	sld [smem:$0x3FBA];
	_ =	sdelay $0x3  }
0x34: {  	[smem:$0x3FBA] =	sst s10  }
0x35: {  	s10 =	sld [smem:$0x3FB9];
	_ =	sdelay $0x3  }
0x36: {  	p1 =	seq.s32 s10, $0x1;
	s10 =	sld [smem:$0x3FBA];
	_ =	sdelay $0x3  }
0x37: {  	[smem:$0x3FBA] =	sst s10  }
0x38: {  	s10 =	sld [smem:$0x3FBB]  }
0x39: {  	_ = 	snop;
	(pc) =	sbr.ind lr, $3  }
0x3a: {  	_ = 	snop  }
0x3b: {  	_ = 	snop  }
0x3c: {  	p2 =	seq.s32 s10, $0x1;
	s10 =	sld [smem:$0x3FBA]  }
0x3d: {  	_ =	shalt  }
0x3e: {  	_ =	shalt  }
0x3f: {  	_ =	shalt  }
0x40: {  	_ =	shalt  }
0x41: {  	_ =	shalt  }
0x42: {  	_ =	shalt  }
0x43: {  	_ =	shalt  }
0x44: {  	_ =	shalt  }
0x45: {  	_ =	shalt  }
0x46: {  	_ =	shalt  }
0x47: {  	_ =	shalt  }
0x48: {  	_ =	shalt  }
0x49: {  	_ =	shalt  }
0x4a: {  	_ =	shalt  }
0x4b: {  	_ =	shalt  }
0x4c: {  	_ =	shalt  }
0x4d: {  	_ =	shalt  }
0x4e: {  	_ =	shalt  }
0x4f: {  	_ =	shalt  }
0x50: {  	_ =	shalt  }
0x51: {  	_ =	shalt  }
0x52: {  	_ =	shalt  }
0x53: {  	_ =	shalt  }
0x54: {  	_ =	shalt  }
0x55: {  	_ =	shalt  }
0x56: {  	_ =	shalt  }
0x57: {  	_ =	shalt  }
0x58: {  	_ =	shalt  }
0x59: {  	_ =	shalt  }
0x5a: {  	_ =	shalt  }
0x5b: {  	_ =	shalt  }
0x5c: {  	_ =	shalt  }
0x5d: {  	_ =	shalt  }
0x5e: {  	_ =	shalt  }
0x5f: {  	_ =	shalt  }
0x60: {  	_ =	shalt  }
0x61: {  	_ =	shalt  }
0x62: {  	_ =	shalt  }
0x63: {  	_ =	shalt  }
0x64: {  	_ =	shalt  }
0x65: {  	_ =	shalt  }
0x66: {  	_ =	shalt  }
0x67: {  	_ =	shalt  }
0x68: {  	_ =	shalt  }
0x69: {  	_ =	shalt  }
0x6a: {  	_ =	shalt  }
0x6b: {  	_ =	shalt  }
0x6c: {  	_ =	shalt  }
0x6d: {  	_ =	shalt  }
0x6e: {  	_ =	shalt  }
0x6f: {  	_ =	shalt  }
0x70: {  	_ =	shalt  }
0x71: {  	_ =	shalt  }
0x72: {  	_ =	shalt  }
0x73: {  	_ =	shalt  }
0x74: {  	_ =	shalt  }
0x75: {  	_ =	shalt  }
0x76: {  	_ =	shalt  }
0x77: {  	_ =	shalt  }
0x78: {  	_ =	shalt  }
0x79: {  	_ =	shalt  }
0x7a: {  	_ =	shalt  }
0x7b: {  	_ =	shalt  }
0x7c: {  	_ =	shalt  }
0x7d: {  	_ =	shalt  }
0x7e: {  	_ =	shalt  }
0x7f: {  	_ =	shalt  }
0x80: {  	_ =	shalt  }
0x81: {  	_ =	shalt  }
0x82: {  	_ =	shalt  }
0x83: {  	_ =	shalt  }
0x84: {  	_ =	shalt  }
0x85: {  	_ =	shalt  }
0x86: {  	_ =	shalt  }
0x87: {  	_ =	shalt  }
.Lfunc_end0:
.L_simem_size_0:
called_computation.1_lowered:
.L_overlay_start_0:
0x88: {  	s2 =	sld [smem:$0x3FD9]  }
0x89: {  	s3 =	sld [smem:$0x3FFE];
	_ =	sdelay $0x1  }
0x8a: {  	s1 =	srdreg.scid  }
0x8b: {  	s0 =	sand.u32 $0x1, s1  }
0x8c: {  	s17 =	sshll.u32 s0, $0xA;
	s2 =	sadd.s32 s3, s2  }
0x8d: {  	s2 =	sadd.s32 s2, s17  }
0x8e: {  	[smem:$0x3FC6] =	sst s2  }
0x8f: {  	_ = 	snop  }
0x90: {  	s2 =	sld [smem:$0x3FC8]  }
0x91: {  	s18 =	sld [smem:$0x3FD0];
	(tm) =	ssettm $0x1  }
0x92: {  	s4 =	sld [smem:$0x3FFB];
	_ =	sdelay $0x3  }
0x93: {  	_ =	strace s4  }
0x94: {  	s4 =	sld [smem:$0x3FFC];
	_ =	sdelay $0x3  }
0x95: {  	_ =	strace s4  }
0x96: {  	s4 =	sld [smem:$0x3FFD];
	_ =	sdelay $0x3  }
0x97: {  	_ =	strace s4  }
0x98: {  	_ =	strace $0x8FFFFFFF  }
0x99: {  	s19 =	sld [smem:$0x3FDB];
	_ =	sdelay $0x1  }
0x9a: {  	s5 =	simm.s32 $_scs_section_size  }
0x9b: {  	s6 =	simm.s32 $_size__tile_overlayer_lowered;
	s7 =	simm.s32 $_tile_overlayer_lowered  }
0x9c: {  	s22 =	simm.s32 $0x1BFF;
	s21 =	sshll.u32 s7, $0x1;
	s4 =	sadd.s32 s5, s19  }
0x9d: {  	s8 =	simm.s32 $0x0;
	s20 =	sshll.u32 s6, $0x1;
	s6 =	sadd.s32 s21, s4  }
0x9e: {  	[timem:s8], [sflag:s22] =	dma.local [hbm:s6], s20  }
0x9f: {  	_ =	swait.ge [sflag:s22], s20  }
0xa0: {  	s5 =	ssub.s32 $0x0, s20;
	[sflag:s22] =	ssyncset.done $0x0  }
0xa1: {  	[sflag:s22] =	ssyncadd.s32 s5;
	_ =	sdelay $0x1  }
0xa2: {  	s23 =	simm.s32 $0x1B8B  }
0xa3: {  	_ =	swait.ge [sflag:s23], $0x1  }
0xa4: {  	[sflag:s23] =	ssyncset.done $0x0  }
0xa5: {  	s25 =	simm.s32 $0x1B8E;
	s24 =	sld [smem:$0x3FFE];
	[sflag:s23] =	ssyncadd.s32 $0xFFFFFFFF  }
0xa6: {  	s26 =	simm.s32 $execute0_lowered;
	[smem:$0x3FD2] =	sst s25  }
0xa7: {  	s6 =	sshll.u32 s26, $0x1;
	_ =	strace $0x80000046;
	[dreg:$0x1] =	wrdreg $0xFFFFFFFF  }
0xa8: {  	s28 =	simm.s32 $_size_execute0_lowered;
	s4 =	sadd.s32 s4, s6;
	[dreg:$0x0] =	wrdreg $0x0  }
0xa9: {  	s6 =	sshll.u32 s28, $0x1;
	[dreg:$0x2] =	wrdreg s4  }
0xaa: {  	[dreg:$0x3] =	wrdreg s6  }
0xab: {  	[dreg:$0x4] =	wrdreg $0xC0  }
0xac: {  	_ =	task [dreg:s8], $0x5FFFF  }
0xad: {  	[dreg:$0x1] =	wrdreg $0xFFFFFFFF  }
0xae: {  	[dreg:$0x0] =	wrdreg $0x60  }
0xaf: {  	[dreg:$0x2] =	wrdreg s24  }
0xb0: {  	[dreg:$0x3] =	wrdreg s2  }
0xb1: {  	[dreg:$0x4] =	wrdreg s18  }
0xb2: {  	[dreg:$0x5] =	wrdreg $0x9  }
0xb3: {  	_ =	task.clear_ibuf [dreg:s8], $0x6FFFF;
	_ =	strace $0x90000046  }
0xb4: {  	s29 =	simm.s32 $0x9;
	_ =	strace $0x80000048  }
0xb5: {  	_ =	swait.ge [sflag:s29], $0x1  }
0xb6: {  	[sflag:s29] =	ssyncadd.s32 $0xFFFFFFFF  }
0xb7: {  	_ =	strace $0x90000048  }
0xb8: {  	_ =	sfence  }
0xb9: {  	s30 =	sld [smem:$0x0];
	_ =	sdelay $0x2  }
0xba: {  	s31 =	sshll.u32 s1, $0xD;
	s1 =	sshrl.u32 s1, $0x2  }
0xbb: {  	s3 =	sand.u32 $0x4000, s31;
	s1 =	sadd.s32 s1, s30  }
0xbc: {  	s0 =	sor.u32 s3, s0;
	s1 =	sshll.u32 s1, $0x11  }
0xbd: {  	s0 =	sor.u32 s1, s0  }
0xbe: {  	s0 =	sadd.s32 $0x8F2B, s0  }
0xbf: {  	[sflag:s0] =	ssyncadd.remote.s32 $0x1  }
0xc0: {  	_ =	sfence.sel $0xFFFF  }
0xc1: {  	[dreg:$0x0] =	wrdreg $0xFFFFFFFF;
	(pc) =	sbr.abs _section_cstart, $3  }
0xc2: {  	[dreg:$0x1] =	wrdreg $0xFFFFFFFF  }
0xc3: {  	_ =	task.clear_ibuf [dreg:s8], $0x2FFFF;
	_ =	strace $0x9FFFFFFF  }
0xc4: {  	(tm) =	ssettm $0x7FFFFFFF  }
0xc5: {  	_ =	shalt  }
tec
execute0_lowered:
.L_overlay_start_1:
0x0: {  	(tag) =	ssettag $0x1  }
0x1: {  	s1 =	srdreg.scid;
	s0 =	stileid.u32  }
0x2: {  	s1 =	sand.u32 $0x1, s1;
	s2 =	sshll.u32 s0, $0x1;
	s19 =	sshrl.u32 s0, $0x2  }
0x3: {  	s4 =	sor.u32 s1, s2;
	s3 =	smul.u32 $0xC800, s19  }
0x4: {  	s5 =	rddreg [dreg:$0x0];
	s8 =	smul.u32 $0xC8000, s4  }
0x5: {  	s7 =	rddreg [dreg:$0x2];
	s6 =	sshll.u32 s4, $0x7;
	s4 =	smul.u32 $0x19000, s4  }
0x6: {  	s2 =	rddreg [dreg:$0x1];
	s6 =	sand.u32 $0x380, s6  }
0x7: {  	s6 =	sor.u32 s3, s6;
	s3 =	simm.s32 $0x0;
	s4 =	sadd.s32 s7, s4  }
0x8: {  	[smem:$0x7FF] =	sst s3;
	s26 =	sadd.s32 $0x1400, s4  }
0x9: {  	s0 =	sadd.s32 $0x2800, s4;
	_ =	strace $0x80000047;
	[dreg:$0xa] =	wrdreg s26  }
0xa: {  	s20 =	sshrl.u32 s8, $0x3;
	s8 =	sadd.s32 $0x6400, s4;
	[dreg:$0xb] =	wrdreg s0  }
0xb: {  	s9 =	sadd.s32 $0x7800, s4;
	[dreg:$0xe] =	wrdreg s8  }
0xc: {  	s10 =	sadd.s32 $0x8C00, s4;
	[dreg:$0xf] =	wrdreg s9  }
0xd: {  	s11 =	sadd.s32 $0xA000, s4;
	[dreg:$0x10] =	wrdreg s10  }
0xe: {  	s12 =	sadd.s32 $0xB400, s4;
	[dreg:$0x11] =	wrdreg s11  }
0xf: {  	s13 =	sadd.s32 $0xC800, s4;
	[dreg:$0x12] =	wrdreg s12  }
0x10: {  	s14 =	sadd.s32 $0xDC00, s4;
	[dreg:$0x13] =	wrdreg s13  }
0x11: {  	s15 =	sadd.s32 $0xF000, s4;
	[dreg:$0x14] =	wrdreg s14  }
0x12: {  	s16 =	sadd.s32 $0x10400, s4;
	[dreg:$0x15] =	wrdreg s15  }
0x13: {  	s17 =	sadd.s32 $0x11800, s4;
	[dreg:$0x16] =	wrdreg s16  }
0x14: {  	s18 =	simm.s32 $0x80;
	s6 =	sshrl.u32 s6, $0x3;
	[dreg:$0x17] =	wrdreg s17  }
0x15: {  	s19 =	simm.s32 $0x400;
	s5 =	sadd.s32 s6, s5;
	[dreg:$0x18] =	wrdreg s18  }
0x16: {  	s6 =	sadd.s32 s7, s20;
	s7 =	sadd.s32 $0x5000, s4;
	[dreg:$0x19] =	wrdreg s19  }
0x17: {  	s20 =	simm.s32 $0x280;
	[dreg:$0xd] =	wrdreg s7  }
0x18: {  	s9 =	simm.s32 $0x500;
	[dreg:$0x1a] =	wrdreg s20  }
0x19: {  	s5 =	sadd.s32 $0x800, s5;
	[dreg:$0x1c] =	wrdreg s9  }
0x1a: {  	s21 =	sadd.s32 $0x12C00, s6;
	[dreg:$0x4] =	wrdreg s5  }
0x1b: {  	s22 =	sadd.s32 $0x14000, s6;
	[dreg:$0x5] =	wrdreg s21  }
0x1c: {  	s23 =	sadd.s32 $0x15400, s6;
	[dreg:$0x6] =	wrdreg s22  }
0x1d: {  	s24 =	sadd.s32 $0x16800, s6;
	[dreg:$0x7] =	wrdreg s23  }
0x1e: {  	s25 =	sadd.s32 $0x17C00, s6;
	[dreg:$0x8] =	wrdreg s24  }
0x1f: {  	s6 =	sadd.s32 $0x3C00, s4;
	[dreg:$0x9] =	wrdreg s25  }
0x20: {  	[dreg:$0xc] =	wrdreg s6  }
0x21: {  	s21 =	rddreg [dreg:$0x19]  }
0x22: {  	s22 =	rddreg [dreg:$0x18]  }
0x23: {  	s23 =	simm.s32 $0x3C0;
	s24 =	rddreg [dreg:$0x4]  }
0x24: {  	s5 =	simm.s32 $0x7;
	[dreg:$0x1b] =	wrdreg s23  }
0x25: {  	[tilespmem:s3], [sflag:$0x7] =	stream.strided.gather [hbm4b:s24+s22], $0x1900, s21, s22, $0x38;
	[tilespmem:$0x1F900] =	vst v63  }
0x26: {  	_ =	swait.ge [sflag:s5], $0x1900  }
0x27: {  	[sflag:s5] =	ssyncset.done $0x0  }
0x28: {  	s7 =	simm.s32 $0x1900;
	s6 =	simm.s32 $0x140;
	[sflag:s5] =	ssyncadd.s32 $0xFFFFE700  }
0x29: {  	[tilespmem:s7], [sflag:$0x1] =	stream.indirect.gather [hbm4b:s2+s6], $0x80, s3, s6, $0xb8;
	[tilespmem:$0x1F900] =	vst v63  }
0x2a: {  	s8 =	simm.s32 $0xB900;
	s9 =	simm.s32 $0x1  }
0x2b: {  	[tilespmem:s8], [sflag:$0x2] =	stream.indirect.gather [hbm4b:s2+s6], $0x80, s6, s6, $0xb8;
	[tilespmem:$0x1F900] =	vst v63  }
0x2c: {  	_ =	swait.ge [sflag:s9], $0xA000  }
0x2d: {  	[sflag:s9] =	ssyncset.done $0x0  }
0x2e: {  	s10 =	simm.s32 $0x15900;
	s11 =	rddreg [dreg:$0x1a];
	[sflag:s9] =	ssyncadd.s32 $0xFFFF6000  }
0x2f: {  	[tilespmem:s10], [sflag:$0x3] =	stream.indirect.gather [hbm4b:s2+s6], $0x80, s11, s6, $0xb8;
	[tilespmem:$0x1F900] =	vst v63  }
0x30: {  	s11 =	simm.s32 $0x2  }
0x31: {  	[hbm4b:s4+s3] =	stream.linear.scatter [tilespmem:s7], [sflag:$0x4], $0xA000, $0x38;
	[tilespmem:$0x1F900] =	vst v63  }
0x32: {  	_ =	swait.ge [sflag:s11], $0xA000  }
0x33: {  	[sflag:s11] =	ssyncset.done $0x0  }
0x34: {  	s12 =	simm.s32 $0x4;
	[sflag:s11] =	ssyncadd.s32 $0xFFFF6000  }
0x35: {  	_ =	swait.ge [sflag:s12], $0xA000  }
0x36: {  	[sflag:s12] =	ssyncset.done $0x0  }
0x37: {  	s13 =	rddreg [dreg:$0x1b];
	[sflag:s12] =	ssyncadd.s32 $0xFFFF6000  }
0x38: {  	[tilespmem:s7], [sflag:$0x1] =	stream.indirect.gather [hbm4b:s2+s6], $0x80, s13, s6, $0xb8;
	[tilespmem:$0x1F900] =	vst v63  }
0x39: {  	s14 =	rddreg [dreg:$0xa];
	s13 =	simm.s32 $0x3  }
0x3a: {  	[hbm4b:s14+s3] =	stream.linear.scatter [tilespmem:s8], [sflag:$0x5], $0xA000, $0x38;
	[tilespmem:$0x1F900] =	vst v63  }
0x3b: {  	_ =	swait.ge [sflag:s13], $0xA000  }
0x3c: {  	[sflag:s13] =	ssyncset.done $0x0  }
0x3d: {  	s14 =	simm.s32 $0x5;
	[sflag:s13] =	ssyncadd.s32 $0xFFFF6000  }
0x3e: {  	_ =	swait.ge [sflag:s14], $0xA000  }
0x3f: {  	[sflag:s14] =	ssyncset.done $0x0  }
0x40: {  	s15 =	rddreg [dreg:$0x1c];
	[sflag:s14] =	ssyncadd.s32 $0xFFFF6000  }
0x41: {  	[tilespmem:s8], [sflag:$0x2] =	stream.indirect.gather [hbm4b:s2+s6], $0x80, s15, s6, $0xb8;
	[tilespmem:$0x1F900] =	vst v63  }
0x42: {  	s16 =	rddreg [dreg:$0xb]  }
0x43: {  	[hbm4b:s16+s3] =	stream.linear.scatter [tilespmem:s10], [sflag:$0x6], $0xA000, $0x38;
	[tilespmem:$0x1F900] =	vst v63  }
0x44: {  	_ =	swait.ge [sflag:s9], $0xA000  }
0x45: {  	[sflag:s9] =	ssyncset.done $0x0  }
0x46: {  	s15 =	simm.s32 $0x6;
	[sflag:s9] =	ssyncadd.s32 $0xFFFF6000  }
0x47: {  	_ =	swait.ge [sflag:s15], $0xA000  }
0x48: {  	[sflag:s15] =	ssyncset.done $0x0  }
0x49: {  	s25 =	simm.s32 $0x640;
	[sflag:s15] =	ssyncadd.s32 $0xFFFF6000  }
0x4a: {  	[tilespmem:s10], [sflag:$0x3] =	stream.indirect.gather [hbm4b:s2+s6], $0x80, s25, s6, $0xb8;
	[tilespmem:$0x1F900] =	vst v63  }
0x4b: {  	s17 =	rddreg [dreg:$0xc]  }
0x4c: {  	[hbm4b:s17+s3] =	stream.linear.scatter [tilespmem:s7], [sflag:$0x4], $0xA000, $0x38;
	[tilespmem:$0x1F900] =	vst v63  }
0x4d: {  	_ =	swait.ge [sflag:s11], $0xA000  }
0x4e: {  	[sflag:s11] =	ssyncset.done $0x0  }
0x4f: {  	[sflag:s11] =	ssyncadd.s32 $0xFFFF6000  }
0x50: {  	_ =	swait.ge [sflag:s12], $0xA000  }
0x51: {  	[sflag:s12] =	ssyncset.done $0x0  }
0x52: {  	s26 =	simm.s32 $0x780;
	[sflag:s12] =	ssyncadd.s32 $0xFFFF6000  }
0x53: {  	[tilespmem:s7], [sflag:$0x1] =	stream.indirect.gather [hbm4b:s2+s6], $0x80, s26, s6, $0xb8;
	[tilespmem:$0x1F900] =	vst v63  }
0x54: {  	s18 =	rddreg [dreg:$0xd]  }
0x55: {  	[hbm4b:s18+s3] =	stream.linear.scatter [tilespmem:s8], [sflag:$0x5], $0xA000, $0x38;
	[tilespmem:$0x1F900] =	vst v63  }
0x56: {  	_ =	swait.ge [sflag:s13], $0xA000  }
0x57: {  	[sflag:s13] =	ssyncset.done $0x0  }
0x58: {  	[sflag:s13] =	ssyncadd.s32 $0xFFFF6000  }
0x59: {  	_ =	swait.ge [sflag:s14], $0xA000  }
0x5a: {  	[sflag:s14] =	ssyncset.done $0x0  }
0x5b: {  	s18 =	simm.s32 $0x8C0;
	[sflag:s14] =	ssyncadd.s32 $0xFFFF6000  }
0x5c: {  	[tilespmem:s8], [sflag:$0x2] =	stream.indirect.gather [hbm4b:s2+s6], $0x80, s18, s6, $0xb8;
	[tilespmem:$0x1F900] =	vst v63  }
0x5d: {  	s19 =	rddreg [dreg:$0xe]  }
0x5e: {  	[hbm4b:s19+s3] =	stream.linear.scatter [tilespmem:s10], [sflag:$0x6], $0xA000, $0x38;
	[tilespmem:$0x1F900] =	vst v63  }
0x5f: {  	_ =	swait.ge [sflag:s9], $0xA000  }
0x60: {  	[sflag:s9] =	ssyncset.done $0x0  }
0x61: {  	[sflag:s9] =	ssyncadd.s32 $0xFFFF6000  }
0x62: {  	_ =	swait.ge [sflag:s15], $0xA000  }
0x63: {  	[sflag:s15] =	ssyncset.done $0x0  }
0x64: {  	s19 =	simm.s32 $0xA00;
	[sflag:s15] =	ssyncadd.s32 $0xFFFF6000  }
0x65: {  	[tilespmem:s10], [sflag:$0x3] =	stream.indirect.gather [hbm4b:s2+s6], $0x80, s19, s6, $0xb8;
	[tilespmem:$0x1F900] =	vst v63  }
0x66: {  	s20 =	rddreg [dreg:$0xf]  }
0x67: {  	[hbm4b:s20+s3] =	stream.linear.scatter [tilespmem:s7], [sflag:$0x4], $0xA000, $0x38;
	[tilespmem:$0x1F900] =	vst v63  }
0x68: {  	_ =	swait.ge [sflag:s11], $0xA000  }
0x69: {  	[sflag:s11] =	ssyncset.done $0x0  }
0x6a: {  	[sflag:s11] =	ssyncadd.s32 $0xFFFF6000  }
0x6b: {  	_ =	swait.ge [sflag:s12], $0xA000  }
0x6c: {  	[sflag:s12] =	ssyncset.done $0x0  }
0x6d: {  	s20 =	simm.s32 $0xB40;
	[sflag:s12] =	ssyncadd.s32 $0xFFFF6000  }
0x6e: {  	[tilespmem:s7], [sflag:$0x1] =	stream.indirect.gather [hbm4b:s2+s6], $0x80, s20, s6, $0xb8;
	[tilespmem:$0x1F900] =	vst v63  }
0x6f: {  	s21 =	rddreg [dreg:$0x10]  }
0x70: {  	[hbm4b:s21+s3] =	stream.linear.scatter [tilespmem:s8], [sflag:$0x5], $0xA000, $0x38;
	[tilespmem:$0x1F900] =	vst v63  }
0x71: {  	_ =	swait.ge [sflag:s13], $0xA000  }
0x72: {  	[sflag:s13] =	ssyncset.done $0x0  }
0x73: {  	[sflag:s13] =	ssyncadd.s32 $0xFFFF6000  }
0x74: {  	_ =	swait.ge [sflag:s14], $0xA000  }
0x75: {  	[sflag:s14] =	ssyncset.done $0x0  }
0x76: {  	s21 =	simm.s32 $0xC80;
	[sflag:s14] =	ssyncadd.s32 $0xFFFF6000  }
0x77: {  	[tilespmem:s8], [sflag:$0x2] =	stream.indirect.gather [hbm4b:s2+s6], $0x80, s21, s6, $0xb8;
	[tilespmem:$0x1F900] =	vst v63  }
0x78: {  	s22 =	rddreg [dreg:$0x11]  }
0x79: {  	[hbm4b:s22+s3] =	stream.linear.scatter [tilespmem:s10], [sflag:$0x6], $0xA000, $0x38;
	[tilespmem:$0x1F900] =	vst v63  }
0x7a: {  	_ =	swait.ge [sflag:s9], $0xA000  }
0x7b: {  	[sflag:s9] =	ssyncset.done $0x0  }
0x7c: {  	[sflag:s9] =	ssyncadd.s32 $0xFFFF6000  }
0x7d: {  	_ =	swait.ge [sflag:s15], $0xA000  }
0x7e: {  	[sflag:s15] =	ssyncset.done $0x0  }
0x7f: {  	s22 =	simm.s32 $0xDC0;
	[sflag:s15] =	ssyncadd.s32 $0xFFFF6000  }
0x80: {  	[tilespmem:s10], [sflag:$0x3] =	stream.indirect.gather [hbm4b:s2+s6], $0x80, s22, s6, $0xb8;
	[tilespmem:$0x1F900] =	vst v63  }
0x81: {  	s23 =	rddreg [dreg:$0x12]  }
0x82: {  	[hbm4b:s23+s3] =	stream.linear.scatter [tilespmem:s7], [sflag:$0x4], $0xA000, $0x38;
	[tilespmem:$0x1F900] =	vst v63  }
0x83: {  	_ =	swait.ge [sflag:s11], $0xA000  }
0x84: {  	[sflag:s11] =	ssyncset.done $0x0  }
0x85: {  	[sflag:s11] =	ssyncadd.s32 $0xFFFF6000  }
0x86: {  	_ =	swait.ge [sflag:s12], $0xA000  }
0x87: {  	[sflag:s12] =	ssyncset.done $0x0  }
0x88: {  	s23 =	simm.s32 $0xF00;
	[sflag:s12] =	ssyncadd.s32 $0xFFFF6000  }
0x89: {  	[tilespmem:s7], [sflag:$0x1] =	stream.indirect.gather [hbm4b:s2+s6], $0x80, s23, s6, $0xb8;
	[tilespmem:$0x1F900] =	vst v63  }
0x8a: {  	s24 =	rddreg [dreg:$0x13]  }
0x8b: {  	[hbm4b:s24+s3] =	stream.linear.scatter [tilespmem:s8], [sflag:$0x5], $0xA000, $0x38;
	[tilespmem:$0x1F900] =	vst v63  }
0x8c: {  	_ =	swait.ge [sflag:s13], $0xA000  }
0x8d: {  	[sflag:s13] =	ssyncset.done $0x0  }
0x8e: {  	[sflag:s13] =	ssyncadd.s32 $0xFFFF6000  }
0x8f: {  	_ =	swait.ge [sflag:s14], $0xA000  }
0x90: {  	[sflag:s14] =	ssyncset.done $0x0  }
0x91: {  	s24 =	simm.s32 $0x1040;
	[sflag:s14] =	ssyncadd.s32 $0xFFFF6000  }
0x92: {  	[tilespmem:s8], [sflag:$0x2] =	stream.indirect.gather [hbm4b:s2+s6], $0x80, s24, s6, $0xb8;
	[tilespmem:$0x1F900] =	vst v63  }
0x93: {  	s25 =	rddreg [dreg:$0x14]  }
0x94: {  	[hbm4b:s25+s3] =	stream.linear.scatter [tilespmem:s10], [sflag:$0x6], $0xA000, $0x38;
	[tilespmem:$0x1F900] =	vst v63  }
0x95: {  	_ =	swait.ge [sflag:s9], $0xA000  }
0x96: {  	[sflag:s9] =	ssyncset.done $0x0  }
0x97: {  	[sflag:s9] =	ssyncadd.s32 $0xFFFF6000  }
0x98: {  	_ =	swait.ge [sflag:s15], $0xA000  }
0x99: {  	[sflag:s15] =	ssyncset.done $0x0  }
0x9a: {  	s25 =	simm.s32 $0x1180;
	[sflag:s15] =	ssyncadd.s32 $0xFFFF6000  }
0x9b: {  	[tilespmem:s10], [sflag:$0x3] =	stream.indirect.gather [hbm4b:s2+s6], $0x80, s25, s6, $0xb8;
	[tilespmem:$0x1F900] =	vst v63  }
0x9c: {  	s26 =	rddreg [dreg:$0x15]  }
0x9d: {  	[hbm4b:s26+s3] =	stream.linear.scatter [tilespmem:s7], [sflag:$0x4], $0xA000, $0x38;
	[tilespmem:$0x1F900] =	vst v63  }
0x9e: {  	_ =	swait.ge [sflag:s11], $0xA000  }
0x9f: {  	[sflag:s11] =	ssyncset.done $0x0  }
0xa0: {  	[sflag:s11] =	ssyncadd.s32 $0xFFFF6000  }
0xa1: {  	_ =	swait.ge [sflag:s12], $0xA000  }
0xa2: {  	[sflag:s12] =	ssyncset.done $0x0  }
0xa3: {  	s26 =	simm.s32 $0x12C0;
	[sflag:s12] =	ssyncadd.s32 $0xFFFF6000  }
0xa4: {  	[tilespmem:s7], [sflag:$0x1] =	stream.indirect.gather [hbm4b:s2+s6], $0x80, s26, s6, $0xb8;
	[tilespmem:$0x1F900] =	vst v63  }
0xa5: {  	s28 =	rddreg [dreg:$0x16]  }
0xa6: {  	[hbm4b:s28+s3] =	stream.linear.scatter [tilespmem:s8], [sflag:$0x5], $0xA000, $0x38;
	[tilespmem:$0x1F900] =	vst v63  }
0xa7: {  	_ =	swait.ge [sflag:s13], $0xA000  }
0xa8: {  	[sflag:s13] =	ssyncset.done $0x0  }
0xa9: {  	[sflag:s13] =	ssyncadd.s32 $0xFFFF6000  }
0xaa: {  	_ =	swait.ge [sflag:s14], $0xA000  }
0xab: {  	[sflag:s14] =	ssyncset.done $0x0  }
0xac: {  	s28 =	simm.s32 $0x1400;
	[sflag:s14] =	ssyncadd.s32 $0xFFFF6000  }
0xad: {  	[tilespmem:s8], [sflag:$0x2] =	stream.indirect.gather [hbm4b:s2+s6], $0x80, s28, s6, $0xb8;
	[tilespmem:$0x1F900] =	vst v63  }
0xae: {  	s29 =	rddreg [dreg:$0x17]  }
0xaf: {  	[hbm4b:s29+s3] =	stream.linear.scatter [tilespmem:s10], [sflag:$0x6], $0xA000, $0x38;
	[tilespmem:$0x1F900] =	vst v63  }
0xb0: {  	_ =	swait.ge [sflag:s9], $0xA000  }
0xb1: {  	[sflag:s9] =	ssyncset.done $0x0  }
0xb2: {  	[sflag:s9] =	ssyncadd.s32 $0xFFFF6000  }
0xb3: {  	_ =	swait.ge [sflag:s15], $0xA000  }
0xb4: {  	[sflag:s15] =	ssyncset.done $0x0  }
0xb5: {  	s29 =	simm.s32 $0x1540;
	[sflag:s15] =	ssyncadd.s32 $0xFFFF6000  }
0xb6: {  	[tilespmem:s10], [sflag:$0x3] =	stream.indirect.gather [hbm4b:s2+s6], $0x80, s29, s6, $0xb8;
	[tilespmem:$0x1F900] =	vst v63  }
0xb7: {  	s30 =	rddreg [dreg:$0x5]  }
0xb8: {  	[hbm4b:s30+s3] =	stream.linear.scatter [tilespmem:s7], [sflag:$0x4], $0xA000, $0x38;
	[tilespmem:$0x1F900] =	vst v63  }
0xb9: {  	_ =	swait.ge [sflag:s11], $0xA000  }
0xba: {  	[sflag:s11] =	ssyncset.done $0x0  }
0xbb: {  	[sflag:s11] =	ssyncadd.s32 $0xFFFF6000  }
0xbc: {  	_ =	swait.ge [sflag:s12], $0xA000  }
0xbd: {  	[sflag:s12] =	ssyncset.done $0x0  }
0xbe: {  	s30 =	simm.s32 $0x1680;
	[sflag:s12] =	ssyncadd.s32 $0xFFFF6000  }
0xbf: {  	[tilespmem:s7], [sflag:$0x1] =	stream.indirect.gather [hbm4b:s2+s6], $0x80, s30, s6, $0xb8;
	[tilespmem:$0x1F900] =	vst v63  }
0xc0: {  	s31 =	rddreg [dreg:$0x6]  }
0xc1: {  	[hbm4b:s31+s3] =	stream.linear.scatter [tilespmem:s8], [sflag:$0x5], $0xA000, $0x38;
	[tilespmem:$0x1F900] =	vst v63  }
0xc2: {  	_ =	swait.ge [sflag:s13], $0xA000  }
0xc3: {  	[sflag:s13] =	ssyncset.done $0x0  }
0xc4: {  	[sflag:s13] =	ssyncadd.s32 $0xFFFF6000  }
0xc5: {  	_ =	swait.ge [sflag:s14], $0xA000  }
0xc6: {  	[sflag:s14] =	ssyncset.done $0x0  }
0xc7: {  	s31 =	simm.s32 $0x17C0;
	[sflag:s14] =	ssyncadd.s32 $0xFFFF6000  }
0xc8: {  	[tilespmem:s8], [sflag:$0x2] =	stream.indirect.gather [hbm4b:s2+s6], $0x80, s31, s6, $0xb8;
	[tilespmem:$0x1F900] =	vst v63  }
0xc9: {  	s16 =	rddreg [dreg:$0x7]  }
0xca: {  	[hbm4b:s16+s3] =	stream.linear.scatter [tilespmem:s10], [sflag:$0x6], $0xA000, $0x38;
	[tilespmem:$0x1F900] =	vst v63  }
0xcb: {  	_ =	swait.ge [sflag:s9], $0xA000  }
0xcc: {  	[sflag:s9] =	ssyncset.done $0x0  }
0xcd: {  	[sflag:s9] =	ssyncadd.s32 $0xFFFF6000  }
0xce: {  	_ =	swait.ge [sflag:s15], $0xA000  }
0xcf: {  	s16 =	ssub.s32 $0x2, s1;
	[sflag:s15] =	ssyncset.done $0x0  }
0xd0: {  	s1 =	sshrl.u32 s16, $0x1;
	s17 =	rddreg [dreg:$0x8];
	[sflag:s15] =	ssyncadd.s32 $0xFFFF6000  }
0xd1: {  	[hbm4b:s17+s3] =	stream.linear.scatter [tilespmem:s7], [sflag:$0x4], $0xA000, $0x38;
	[tilespmem:$0x1F900] =	vst v63  }
0xd2: {  	s0 =	ssub.s32 s16, s1;
	_ =	swait.ge [sflag:s11], $0xA000  }
0xd3: {  	s0 =	smax.u32 s0, $0x1;
	[sflag:s11] =	ssyncset.done $0x0  }
0xd4: {  	p0 =	sne.s32 s0, $0x1;
	[sflag:s11] =	ssyncadd.s32 $0xFFFF6000  }
.Ltmp0:
0xd5: {  	_ =	swait.ge [sflag:s12], $0xA000;
	(pc) =	sbr.rel @!p0 .LBB2_2-.Ltmp0, $4  }
0xd6: {  	[sflag:s12] =	ssyncset.done $0x0  }
0xd7: {  	s17 =	rddreg [dreg:$0x9];
	[sflag:s12] =	ssyncadd.s32 $0xFFFF6000  }
0xd8: {  	[hbm4b:s17+s3] =	stream.linear.scatter [tilespmem:s8], [sflag:$0x5], $0xA000, $0x38;
	[tilespmem:$0x1F900] =	vst v63  }
0xd9: {  	s1 =	sadd.s32 $0xFFFFFFFF, s0;
	_ =	swait.ge [sflag:s14], $0xA000  }
.LBB2_1:
0xda: {  	s0 =	rddreg [dreg:$0x19]  }
0xdb: {  	[sflag:s14] =	ssyncset.done $0x0;
	s16 =	rddreg [dreg:$0x18]  }
0xdc: {  	s17 =	rddreg [dreg:$0x4];
	[sflag:s14] =	ssyncadd.s32 $0xFFFF6000  }
0xdd: {  	[tilespmem:s3], [sflag:$0x7] =	stream.strided.gather [hbm4b:s17+s16], $0x1900, s0, s16, $0x38;
	[tilespmem:$0x1F900] =	vst v63  }
0xde: {  	_ =	swait.ge [sflag:s5], $0x1900  }
0xdf: {  	[sflag:s5] =	ssyncset.done $0x0  }
0xe0: {  	[sflag:s5] =	ssyncadd.s32 $0xFFFFE700  }
0xe1: {  	[tilespmem:s7], [sflag:$0x1] =	stream.indirect.gather [hbm4b:s2+s6], $0x80, s3, s6, $0xb8;
	[tilespmem:$0x1F900] =	vst v63  }
0xe2: {  	_ = 	snop  }
0xe3: {  	[tilespmem:s8], [sflag:$0x2] =	stream.indirect.gather [hbm4b:s2+s6], $0x80, s6, s6, $0xb8;
	[tilespmem:$0x1F900] =	vst v63  }
0xe4: {  	_ =	swait.ge [sflag:s9], $0xA000  }
0xe5: {  	[sflag:s9] =	ssyncset.done $0x0  }
0xe6: {  	s17 =	rddreg [dreg:$0x1a];
	[sflag:s9] =	ssyncadd.s32 $0xFFFF6000  }
0xe7: {  	[tilespmem:s10], [sflag:$0x3] =	stream.indirect.gather [hbm4b:s2+s6], $0x80, s17, s6, $0xb8;
	[tilespmem:$0x1F900] =	vst v63  }
0xe8: {  	_ = 	snop  }
0xe9: {  	[hbm4b:s4+s3] =	stream.linear.scatter [tilespmem:s7], [sflag:$0x4], $0xA000, $0x38;
	[tilespmem:$0x1F900] =	vst v63  }
0xea: {  	_ =	swait.ge [sflag:s11], $0xA000  }
0xeb: {  	[sflag:s11] =	ssyncset.done $0x0  }
0xec: {  	[sflag:s11] =	ssyncadd.s32 $0xFFFF6000  }
0xed: {  	_ =	swait.ge [sflag:s12], $0xA000  }
0xee: {  	[sflag:s12] =	ssyncset.done $0x0  }
0xef: {  	s16 =	rddreg [dreg:$0x1b];
	[sflag:s12] =	ssyncadd.s32 $0xFFFF6000  }
0xf0: {  	[tilespmem:s7], [sflag:$0x1] =	stream.indirect.gather [hbm4b:s2+s6], $0x80, s16, s6, $0xb8;
	[tilespmem:$0x1F900] =	vst v63  }
0xf1: {  	s17 =	rddreg [dreg:$0xa]  }
0xf2: {  	[hbm4b:s17+s3] =	stream.linear.scatter [tilespmem:s8], [sflag:$0x5], $0xA000, $0x38;
	[tilespmem:$0x1F900] =	vst v63  }
0xf3: {  	_ =	swait.ge [sflag:s13], $0xA000  }
0xf4: {  	[sflag:s13] =	ssyncset.done $0x0  }
0xf5: {  	[sflag:s13] =	ssyncadd.s32 $0xFFFF6000  }
0xf6: {  	_ =	swait.ge [sflag:s14], $0xA000  }
0xf7: {  	[sflag:s14] =	ssyncset.done $0x0  }
0xf8: {  	s16 =	rddreg [dreg:$0x1c];
	[sflag:s14] =	ssyncadd.s32 $0xFFFF6000  }
0xf9: {  	[tilespmem:s8], [sflag:$0x2] =	stream.indirect.gather [hbm4b:s2+s6], $0x80, s16, s6, $0xb8;
	[tilespmem:$0x1F900] =	vst v63  }
0xfa: {  	s17 =	rddreg [dreg:$0xb]  }
0xfb: {  	[hbm4b:s17+s3] =	stream.linear.scatter [tilespmem:s10], [sflag:$0x6], $0xA000, $0x38;
	[tilespmem:$0x1F900] =	vst v63  }
0xfc: {  	_ =	swait.ge [sflag:s9], $0xA000  }
0xfd: {  	[sflag:s9] =	ssyncset.done $0x0  }
0xfe: {  	[sflag:s9] =	ssyncadd.s32 $0xFFFF6000  }
0xff: {  	_ =	swait.ge [sflag:s15], $0xA000  }
0x100: {  	[sflag:s15] =	ssyncset.done $0x0  }
0x101: {  	s17 =	simm.s32 $0x640;
	[sflag:s15] =	ssyncadd.s32 $0xFFFF6000  }
0x102: {  	[tilespmem:s10], [sflag:$0x3] =	stream.indirect.gather [hbm4b:s2+s6], $0x80, s17, s6, $0xb8;
	[tilespmem:$0x1F900] =	vst v63  }
0x103: {  	s0 =	rddreg [dreg:$0xc]  }
0x104: {  	[hbm4b:s0+s3] =	stream.linear.scatter [tilespmem:s7], [sflag:$0x4], $0xA000, $0x38;
	[tilespmem:$0x1F900] =	vst v63  }
0x105: {  	_ =	swait.ge [sflag:s11], $0xA000  }
0x106: {  	[sflag:s11] =	ssyncset.done $0x0  }
0x107: {  	[sflag:s11] =	ssyncadd.s32 $0xFFFF6000  }
0x108: {  	_ =	swait.ge [sflag:s12], $0xA000  }
0x109: {  	[sflag:s12] =	ssyncset.done $0x0  }
0x10a: {  	s17 =	simm.s32 $0x780;
	[sflag:s12] =	ssyncadd.s32 $0xFFFF6000  }
0x10b: {  	[tilespmem:s7], [sflag:$0x1] =	stream.indirect.gather [hbm4b:s2+s6], $0x80, s17, s6, $0xb8;
	[tilespmem:$0x1F900] =	vst v63  }
0x10c: {  	s0 =	rddreg [dreg:$0xd]  }
0x10d: {  	[hbm4b:s0+s3] =	stream.linear.scatter [tilespmem:s8], [sflag:$0x5], $0xA000, $0x38;
	[tilespmem:$0x1F900] =	vst v63  }
0x10e: {  	_ =	swait.ge [sflag:s13], $0xA000  }
0x10f: {  	[sflag:s13] =	ssyncset.done $0x0  }
0x110: {  	[sflag:s13] =	ssyncadd.s32 $0xFFFF6000  }
0x111: {  	_ =	swait.ge [sflag:s14], $0xA000  }
0x112: {  	[sflag:s14] =	ssyncset.done $0x0  }
0x113: {  	[sflag:s14] =	ssyncadd.s32 $0xFFFF6000  }
0x114: {  	[tilespmem:s8], [sflag:$0x2] =	stream.indirect.gather [hbm4b:s2+s6], $0x80, s18, s6, $0xb8;
	[tilespmem:$0x1F900] =	vst v63  }
0x115: {  	s17 =	rddreg [dreg:$0xe]  }
0x116: {  	[hbm4b:s17+s3] =	stream.linear.scatter [tilespmem:s10], [sflag:$0x6], $0xA000, $0x38;
	[tilespmem:$0x1F900] =	vst v63  }
0x117: {  	_ =	swait.ge [sflag:s9], $0xA000  }
0x118: {  	[sflag:s9] =	ssyncset.done $0x0  }
0x119: {  	[sflag:s9] =	ssyncadd.s32 $0xFFFF6000  }
0x11a: {  	_ =	swait.ge [sflag:s15], $0xA000  }
0x11b: {  	[sflag:s15] =	ssyncset.done $0x0  }
0x11c: {  	[sflag:s15] =	ssyncadd.s32 $0xFFFF6000  }
0x11d: {  	[tilespmem:s10], [sflag:$0x3] =	stream.indirect.gather [hbm4b:s2+s6], $0x80, s19, s6, $0xb8;
	[tilespmem:$0x1F900] =	vst v63  }
0x11e: {  	s16 =	rddreg [dreg:$0xf]  }
0x11f: {  	[hbm4b:s16+s3] =	stream.linear.scatter [tilespmem:s7], [sflag:$0x4], $0xA000, $0x38;
	[tilespmem:$0x1F900] =	vst v63  }
0x120: {  	_ =	swait.ge [sflag:s11], $0xA000  }
0x121: {  	[sflag:s11] =	ssyncset.done $0x0  }
0x122: {  	[sflag:s11] =	ssyncadd.s32 $0xFFFF6000  }
0x123: {  	_ =	swait.ge [sflag:s12], $0xA000  }
0x124: {  	[sflag:s12] =	ssyncset.done $0x0  }
0x125: {  	[sflag:s12] =	ssyncadd.s32 $0xFFFF6000  }
0x126: {  	[tilespmem:s7], [sflag:$0x1] =	stream.indirect.gather [hbm4b:s2+s6], $0x80, s20, s6, $0xb8;
	[tilespmem:$0x1F900] =	vst v63  }
0x127: {  	s17 =	rddreg [dreg:$0x10]  }
0x128: {  	[hbm4b:s17+s3] =	stream.linear.scatter [tilespmem:s8], [sflag:$0x5], $0xA000, $0x38;
	[tilespmem:$0x1F900] =	vst v63  }
0x129: {  	_ =	swait.ge [sflag:s13], $0xA000  }
0x12a: {  	[sflag:s13] =	ssyncset.done $0x0  }
0x12b: {  	[sflag:s13] =	ssyncadd.s32 $0xFFFF6000  }
0x12c: {  	_ =	swait.ge [sflag:s14], $0xA000  }
0x12d: {  	[sflag:s14] =	ssyncset.done $0x0  }
0x12e: {  	[sflag:s14] =	ssyncadd.s32 $0xFFFF6000  }
0x12f: {  	[tilespmem:s8], [sflag:$0x2] =	stream.indirect.gather [hbm4b:s2+s6], $0x80, s21, s6, $0xb8;
	[tilespmem:$0x1F900] =	vst v63  }
0x130: {  	s16 =	rddreg [dreg:$0x11]  }
0x131: {  	[hbm4b:s16+s3] =	stream.linear.scatter [tilespmem:s10], [sflag:$0x6], $0xA000, $0x38;
	[tilespmem:$0x1F900] =	vst v63  }
0x132: {  	_ =	swait.ge [sflag:s9], $0xA000  }
0x133: {  	[sflag:s9] =	ssyncset.done $0x0  }
0x134: {  	[sflag:s9] =	ssyncadd.s32 $0xFFFF6000  }
0x135: {  	_ =	swait.ge [sflag:s15], $0xA000  }
0x136: {  	[sflag:s15] =	ssyncset.done $0x0  }
0x137: {  	[sflag:s15] =	ssyncadd.s32 $0xFFFF6000  }
0x138: {  	[tilespmem:s10], [sflag:$0x3] =	stream.indirect.gather [hbm4b:s2+s6], $0x80, s22, s6, $0xb8;
	[tilespmem:$0x1F900] =	vst v63  }
0x139: {  	s17 =	rddreg [dreg:$0x12]  }
0x13a: {  	[hbm4b:s17+s3] =	stream.linear.scatter [tilespmem:s7], [sflag:$0x4], $0xA000, $0x38;
	[tilespmem:$0x1F900] =	vst v63  }
0x13b: {  	_ =	swait.ge [sflag:s11], $0xA000  }
0x13c: {  	[sflag:s11] =	ssyncset.done $0x0  }
0x13d: {  	[sflag:s11] =	ssyncadd.s32 $0xFFFF6000  }
0x13e: {  	_ =	swait.ge [sflag:s12], $0xA000  }
0x13f: {  	[sflag:s12] =	ssyncset.done $0x0  }
0x140: {  	[sflag:s12] =	ssyncadd.s32 $0xFFFF6000  }
0x141: {  	[tilespmem:s7], [sflag:$0x1] =	stream.indirect.gather [hbm4b:s2+s6], $0x80, s23, s6, $0xb8;
	[tilespmem:$0x1F900] =	vst v63  }
0x142: {  	s16 =	rddreg [dreg:$0x13]  }
0x143: {  	[hbm4b:s16+s3] =	stream.linear.scatter [tilespmem:s8], [sflag:$0x5], $0xA000, $0x38;
	[tilespmem:$0x1F900] =	vst v63  }
0x144: {  	_ =	swait.ge [sflag:s13], $0xA000  }
0x145: {  	[sflag:s13] =	ssyncset.done $0x0  }
0x146: {  	[sflag:s13] =	ssyncadd.s32 $0xFFFF6000  }
0x147: {  	_ =	swait.ge [sflag:s14], $0xA000  }
0x148: {  	[sflag:s14] =	ssyncset.done $0x0  }
0x149: {  	[sflag:s14] =	ssyncadd.s32 $0xFFFF6000  }
0x14a: {  	[tilespmem:s8], [sflag:$0x2] =	stream.indirect.gather [hbm4b:s2+s6], $0x80, s24, s6, $0xb8;
	[tilespmem:$0x1F900] =	vst v63  }
0x14b: {  	s17 =	rddreg [dreg:$0x14]  }
0x14c: {  	[hbm4b:s17+s3] =	stream.linear.scatter [tilespmem:s10], [sflag:$0x6], $0xA000, $0x38;
	[tilespmem:$0x1F900] =	vst v63  }
0x14d: {  	_ =	swait.ge [sflag:s9], $0xA000  }
0x14e: {  	[sflag:s9] =	ssyncset.done $0x0  }
0x14f: {  	[sflag:s9] =	ssyncadd.s32 $0xFFFF6000  }
0x150: {  	_ =	swait.ge [sflag:s15], $0xA000  }
0x151: {  	[sflag:s15] =	ssyncset.done $0x0  }
0x152: {  	[sflag:s15] =	ssyncadd.s32 $0xFFFF6000  }
0x153: {  	[tilespmem:s10], [sflag:$0x3] =	stream.indirect.gather [hbm4b:s2+s6], $0x80, s25, s6, $0xb8;
	[tilespmem:$0x1F900] =	vst v63  }
0x154: {  	s16 =	rddreg [dreg:$0x15]  }
0x155: {  	[hbm4b:s16+s3] =	stream.linear.scatter [tilespmem:s7], [sflag:$0x4], $0xA000, $0x38;
	[tilespmem:$0x1F900] =	vst v63  }
0x156: {  	_ =	swait.ge [sflag:s11], $0xA000  }
0x157: {  	[sflag:s11] =	ssyncset.done $0x0  }
0x158: {  	[sflag:s11] =	ssyncadd.s32 $0xFFFF6000  }
0x159: {  	_ =	swait.ge [sflag:s12], $0xA000  }
0x15a: {  	[sflag:s12] =	ssyncset.done $0x0  }
0x15b: {  	[sflag:s12] =	ssyncadd.s32 $0xFFFF6000  }
0x15c: {  	[tilespmem:s7], [sflag:$0x1] =	stream.indirect.gather [hbm4b:s2+s6], $0x80, s26, s6, $0xb8;
	[tilespmem:$0x1F900] =	vst v63  }
0x15d: {  	s17 =	rddreg [dreg:$0x16]  }
0x15e: {  	[hbm4b:s17+s3] =	stream.linear.scatter [tilespmem:s8], [sflag:$0x5], $0xA000, $0x38;
	[tilespmem:$0x1F900] =	vst v63  }
0x15f: {  	_ =	swait.ge [sflag:s13], $0xA000  }
0x160: {  	[sflag:s13] =	ssyncset.done $0x0  }
0x161: {  	[sflag:s13] =	ssyncadd.s32 $0xFFFF6000  }
0x162: {  	_ =	swait.ge [sflag:s14], $0xA000  }
0x163: {  	[sflag:s14] =	ssyncset.done $0x0  }
0x164: {  	[sflag:s14] =	ssyncadd.s32 $0xFFFF6000  }
0x165: {  	[tilespmem:s8], [sflag:$0x2] =	stream.indirect.gather [hbm4b:s2+s6], $0x80, s28, s6, $0xb8;
	[tilespmem:$0x1F900] =	vst v63  }
0x166: {  	s16 =	rddreg [dreg:$0x17]  }
0x167: {  	[hbm4b:s16+s3] =	stream.linear.scatter [tilespmem:s10], [sflag:$0x6], $0xA000, $0x38;
	[tilespmem:$0x1F900] =	vst v63  }
0x168: {  	_ =	swait.ge [sflag:s9], $0xA000  }
0x169: {  	[sflag:s9] =	ssyncset.done $0x0  }
0x16a: {  	[sflag:s9] =	ssyncadd.s32 $0xFFFF6000  }
0x16b: {  	_ =	swait.ge [sflag:s15], $0xA000  }
0x16c: {  	[sflag:s15] =	ssyncset.done $0x0  }
0x16d: {  	[sflag:s15] =	ssyncadd.s32 $0xFFFF6000  }
0x16e: {  	[tilespmem:s10], [sflag:$0x3] =	stream.indirect.gather [hbm4b:s2+s6], $0x80, s29, s6, $0xb8;
	[tilespmem:$0x1F900] =	vst v63  }
0x16f: {  	s17 =	rddreg [dreg:$0x5]  }
0x170: {  	[hbm4b:s17+s3] =	stream.linear.scatter [tilespmem:s7], [sflag:$0x4], $0xA000, $0x38;
	[tilespmem:$0x1F900] =	vst v63  }
0x171: {  	_ =	swait.ge [sflag:s11], $0xA000  }
0x172: {  	[sflag:s11] =	ssyncset.done $0x0  }
0x173: {  	[sflag:s11] =	ssyncadd.s32 $0xFFFF6000  }
0x174: {  	_ =	swait.ge [sflag:s12], $0xA000  }
0x175: {  	[sflag:s12] =	ssyncset.done $0x0  }
0x176: {  	[sflag:s12] =	ssyncadd.s32 $0xFFFF6000  }
0x177: {  	[tilespmem:s7], [sflag:$0x1] =	stream.indirect.gather [hbm4b:s2+s6], $0x80, s30, s6, $0xb8;
	[tilespmem:$0x1F900] =	vst v63  }
0x178: {  	s16 =	rddreg [dreg:$0x6]  }
0x179: {  	[hbm4b:s16+s3] =	stream.linear.scatter [tilespmem:s8], [sflag:$0x5], $0xA000, $0x38;
	[tilespmem:$0x1F900] =	vst v63  }
0x17a: {  	_ =	swait.ge [sflag:s13], $0xA000  }
0x17b: {  	[sflag:s13] =	ssyncset.done $0x0  }
0x17c: {  	[sflag:s13] =	ssyncadd.s32 $0xFFFF6000  }
0x17d: {  	_ =	swait.ge [sflag:s14], $0xA000  }
0x17e: {  	[sflag:s14] =	ssyncset.done $0x0  }
0x17f: {  	[sflag:s14] =	ssyncadd.s32 $0xFFFF6000  }
0x180: {  	[tilespmem:s8], [sflag:$0x2] =	stream.indirect.gather [hbm4b:s2+s6], $0x80, s31, s6, $0xb8;
	[tilespmem:$0x1F900] =	vst v63  }
0x181: {  	s17 =	rddreg [dreg:$0x7]  }
0x182: {  	[hbm4b:s17+s3] =	stream.linear.scatter [tilespmem:s10], [sflag:$0x6], $0xA000, $0x38;
	[tilespmem:$0x1F900] =	vst v63  }
0x183: {  	_ =	swait.ge [sflag:s9], $0xA000  }
0x184: {  	[sflag:s9] =	ssyncset.done $0x0  }
0x185: {  	[sflag:s9] =	ssyncadd.s32 $0xFFFF6000  }
0x186: {  	_ =	swait.ge [sflag:s15], $0xA000  }
0x187: {  	[sflag:s15] =	ssyncset.done $0x0  }
0x188: {  	s16 =	rddreg [dreg:$0x8];
	[sflag:s15] =	ssyncadd.s32 $0xFFFF6000  }
0x189: {  	[hbm4b:s16+s3] =	stream.linear.scatter [tilespmem:s7], [sflag:$0x4], $0xA000, $0x38;
	[tilespmem:$0x1F900] =	vst v63  }
0x18a: {  	_ =	swait.ge [sflag:s11], $0xA000  }
0x18b: {  	[sflag:s11] =	ssyncset.done $0x0  }
0x18c: {  	p0 =	sne.s32 s1, $0x1;
	[sflag:s11] =	ssyncadd.s32 $0xFFFF6000  }
.Ltmp1:
0x18d: {  	_ =	swait.ge [sflag:s12], $0xA000;
	(pc) =	sbr.rel @p0 .LBB2_1-.Ltmp1, $4  }
0x18e: {  	[sflag:s12] =	ssyncset.done $0x0  }
0x18f: {  	s17 =	rddreg [dreg:$0x9];
	[sflag:s12] =	ssyncadd.s32 $0xFFFF6000  }
0x190: {  	[hbm4b:s17+s3] =	stream.linear.scatter [tilespmem:s8], [sflag:$0x5], $0xA000, $0x38;
	[tilespmem:$0x1F900] =	vst v63  }
0x191: {  	s1 =	sadd.s32 $0xFFFFFFFF, s1;
	_ =	swait.ge [sflag:s14], $0xA000  }
.LBB2_2:
0x192: {  	[sflag:s14] =	ssyncset.done $0x0  }
0x193: {  	[sflag:s14] =	ssyncadd.s32 $0xFFFF6000  }
0x194: {  	_ =	sfence.sel $0x180000  }
0x195: {  	[bflag:$0x0] =	sbarrier.arrive $0xFFFF  }
0x196: {  	_ =	strace $0x90000047  }
0x197: {  	s0 =	stileid.u32;
	[bflag:$0x2] =	sbarrier.arrive $0xFFFF  }
0x198: {  	p0 =	sne.s32 s0, $0x0;
	s0 =	rddreg [dreg:$0x3]  }
0x199: {  	s0 =	sadd.s32 @!p0 $0x100000, s0  }
0x19a: {  	[sflag:s0] =	ssyncadd.tile.s32 @!p0 $0x1;
	_ =	shalt  }
.Lfunc_end2:
_tile_overlayer_lowered:
.L_overlay_start_2:
0x19b: {  	(tag) =	ssettag $0x2  }
0x19c: {  	s0 =	rddreg [dreg:$0x0];
	s2 =	stileid.u32  }
0x19d: {  	s1 =	rddreg [dreg:$0x1];
	p0 =	sne.s32 s2, $0x0  }
0x19e: {  	s3 =	rddreg [dreg:$0x2];
	[bflag:$0x3] =	sbarrier.arrive $0xFFFF;
	s2 =	simm.s32 @!p0 $0x1C07  }
0x19f: {  	[timem:s3], [sflag:s2] =	dma.local @!p0 [hbm:s0], s1  }
0x1a0: {  	s0 =	simm.s32 @!p0 $0x7  }
0x1a1: {  	_ =	swait.ge @!p0 [sflag:s0], s1  }
0x1a2: {  	s1 =	ssub.s32 @!p0 $0x0, s1;
	[sflag:s0] =	ssyncset.done @!p0 $0x0  }
0x1a3: {  	[sflag:s0] =	ssyncadd.s32 @!p0 s1  }
0x1a4: {  	[bflag:$0x3] =	sbarrier.arrive $0xFFFF  }
0x1a5: {  	_ =	shalt  }

// kernel: sparse-core-data-format-call.cloned.1.call-start
scs
called_computation_lowered:
.L_overlay_start_0:
0x0: {  	s2 =	sld [smem:$0x3FD9]  }
0x1: {  	s3 =	sld [smem:$0x3FFE];
	_ =	sdelay $0x1  }
0x2: {  	s1 =	srdreg.scid  }
0x3: {  	s0 =	sand.u32 $0x1, s1  }
0x4: {  	s18 =	sshll.u32 s0, $0xA;
	s2 =	sadd.s32 s3, s2  }
0x5: {  	s2 =	sadd.s32 s2, s18  }
0x6: {  	[smem:$0x3FC6] =	sst s2  }
0x7: {  	_ = 	snop  }
0x8: {  	s2 =	sld [smem:$0x3FD0];
	(tm) =	ssettm $0x1  }
0x9: {  	s19 =	sld [smem:$0x3FFB];
	_ =	sdelay $0x3  }
0xa: {  	_ =	strace s19  }
0xb: {  	s3 =	sld [smem:$0x3FFC];
	_ =	sdelay $0x3  }
0xc: {  	_ =	strace s3  }
0xd: {  	s3 =	sld [smem:$0x3FFD];
	_ =	sdelay $0x3  }
0xe: {  	_ =	strace s3  }
0xf: {  	_ =	strace $0x8FFFFFFF  }
0x10: {  	s20 =	sld [smem:$0x3FDB];
	_ =	sdelay $0x1  }
0x11: {  	s4 =	simm.s32 $_scs_section_size  }
0x12: {  	s5 =	simm.s32 $_size__tile_overlayer_lowered;
	s6 =	simm.s32 $_tile_overlayer_lowered  }
0x13: {  	s23 =	simm.s32 $0x1BFF;
	s22 =	sshll.u32 s6, $0x1;
	s3 =	sadd.s32 s4, s20  }
0x14: {  	s7 =	simm.s32 $0x0;
	s21 =	sshll.u32 s5, $0x1;
	s5 =	sadd.s32 s22, s3  }
0x15: {  	[timem:s7], [sflag:s23] =	dma.local [hbm:s5], s21  }
0x16: {  	_ =	swait.ge [sflag:s23], s21  }
0x17: {  	s4 =	ssub.s32 $0x0, s21;
	[sflag:s23] =	ssyncset.done $0x0  }
0x18: {  	[sflag:s23] =	ssyncadd.s32 s4;
	_ =	sdelay $0x1  }
0x19: {  	s24 =	simm.s32 $0x1B8B  }
0x1a: {  	_ =	swait.ge [sflag:s24], $0x1  }
0x1b: {  	[sflag:s24] =	ssyncset.done $0x0  }
0x1c: {  	s26 =	simm.s32 $0x1B8E;
	s25 =	sld [smem:$0x3FFE];
	[sflag:s24] =	ssyncadd.s32 $0xFFFFFFFF  }
0x1d: {  	s27 =	simm.s32 $execute0_lowered;
	[smem:$0x3FD2] =	sst s26  }
0x1e: {  	s5 =	sshll.u32 s27, $0x1;
	_ =	strace $0x80000049;
	[dreg:$0x1] =	wrdreg $0xFFFFFFFF  }
0x1f: {  	s28 =	simm.s32 $_size_execute0_lowered;
	s3 =	sadd.s32 s3, s5;
	[dreg:$0x0] =	wrdreg $0x0  }
0x20: {  	s5 =	sshll.u32 s28, $0x1;
	[dreg:$0x2] =	wrdreg s3  }
0x21: {  	[dreg:$0x3] =	wrdreg s5  }
0x22: {  	[dreg:$0x4] =	wrdreg $0xC0  }
0x23: {  	_ =	task [dreg:s7], $0x5FFFF  }
0x24: {  	[dreg:$0x1] =	wrdreg $0xFFFFFFFF  }
0x25: {  	[dreg:$0x0] =	wrdreg $0x60  }
0x26: {  	[dreg:$0x2] =	wrdreg s25  }
0x27: {  	[dreg:$0x3] =	wrdreg s2  }
0x28: {  	[dreg:$0x4] =	wrdreg $0x9  }
0x29: {  	_ =	task.clear_ibuf [dreg:s7], $0x5FFFF;
	_ =	strace $0x90000049  }
0x2a: {  	s29 =	simm.s32 $0x9;
	_ =	strace $0x8000004B  }
0x2b: {  	_ =	swait.ge [sflag:s29], $0x1  }
0x2c: {  	[sflag:s29] =	ssyncadd.s32 $0xFFFFFFFF  }
0x2d: {  	_ =	strace $0x9000004B  }
0x2e: {  	_ =	sfence  }
0x2f: {  	s30 =	sld [smem:$0x0];
	_ =	sdelay $0x2  }
0x30: {  	s31 =	sshll.u32 s1, $0xD;
	s1 =	sshrl.u32 s1, $0x2  }
0x31: {  	s3 =	sand.u32 $0x4000, s31;
	s1 =	sadd.s32 s1, s30  }
0x32: {  	s0 =	sor.u32 s3, s0;
	s1 =	sshll.u32 s1, $0x11  }
0x33: {  	s0 =	sor.u32 s1, s0  }
0x34: {  	s0 =	sadd.s32 $0x8F2B, s0  }
0x35: {  	[sflag:s0] =	ssyncadd.remote.s32 $0x1  }
0x36: {  	_ =	sfence.sel $0xFFFF  }
0x37: {  	[dreg:$0x0] =	wrdreg $0xFFFFFFFF;
	(pc) =	sbr.abs _section_cstart, $3  }
0x38: {  	[dreg:$0x1] =	wrdreg $0xFFFFFFFF  }
0x39: {  	_ =	task.clear_ibuf [dreg:s7], $0x2FFFF;
	_ =	strace $0x9FFFFFFF  }
0x3a: {  	(tm) =	ssettm $0x7FFFFFFF  }
0x3b: {  	_ =	shalt  }
tec
execute0_lowered:
.L_overlay_start_1:
0x0: {  	(tag) =	ssettag $0x1  }
0x1: {  	s0 =	srdreg.scid  }
0x2: {  	s1 =	sshll.u32 s0, $0x4  }
0x3: {  	s0 =	stileid.u32;
	s1 =	sand.u32 $0x10, s1  }
0x4: {  	s1 =	sor.u32 s0, s1  }
0x5: {  	s6 =	rddreg [dreg:$0x0];
	s4 =	simm.s32 $0x1;
	s2 =	sshll.u32 s1, $0x6  }
0x6: {  	s7 =	simm.s32 $0x2;
	s13 =	simm.s32 $0x0;
	s1 =	ssub.s32 $0x1000, s2  }
0x7: {  	s8 =	simm.s32 $0x2000;
	s9 =	simm.s32 $0x80000;
	s3 =	sand.u32 $0x7C0, s1  }
0x8: {  	s14 =	simm.s32 $0x0;
	s5 =	sshrl.u32 s1, $0xB;
	p0 =	sne.s32 s3, $0x0  }
.Ltmp0:
0x9: {  	s1 =	rddreg [dreg:$0x2];
	s4 =	simm.s32 @!p0 $0x0;
	(pc) =	sbr.rel .LBB1_1-.Ltmp0, $4  }
0xa: {  	s10 =	simm.s32 $0x0;
	s3 =	rddreg [dreg:$0x1];
	s5 =	sadd.s32 s4, s5  }
0xb: {  	_ =	strace $0x8000004A;
	s4 =	simm.s32 $0x1;
	s5 =	smul.u32 $0x19, s5  }
0xc: {  	s12 =	simm.s32 $0x0;
	s6 =	sadd.s32 $0x800, s6;
	[sflag:s4] =	ssyncpa.u1 $0x0  }
0xd: {  	s11 =	smov.u32 s2;
	[sflag:s7] =	ssyncpa.u1 $0x0;
	s7 =	sadd.s32 $0x1, s5  }
.LBB1_7:
0xe: {  	s15 =	sadd.s32 $0x2, s10  }
0xf: {  	s13 =	sadd.s32 $0x800, s11;
	s17 =	smov.u32 s11;
	p1 =	sgt.s32 s15, $0x31  }
0x10: {  	s17 =	smov.u32 @p1 s13  }
0x11: {  	s15 =	simm.s32 @p1 $0x0;
	p1 =	sgt.s32 s17, $0xFFF  }
0x12: {  	s17 =	smov.u32 @p1 s2;
	p1 =	sne.s32 s12, s7  }
.Ltmp1:
0x13: {  	p0 =	slt.u32 s12, $0x2;
	(pc) =	sbr.rel @!p1 .LBB1_8-.Ltmp1, $4  }
0x14: {  	s16 =	simm.s32 @!p0 $0x2  }
0x15: {  	s14 =	smov.u32 s11;
	_ =	swait.ge @!p0 [sflag:s16], $0x4000  }
0x16: {  	s13 =	smov.u32 s10;
	[sflag:s16] =	ssyncset.done @!p0 $0x0;
	s10 =	smov.u32 s15  }
0x17: {  	s12 =	sadd.s32 $0x1, s12;
	[sflag:s16] =	ssyncadd.s32 @!p0 $0xFFFFC000;
	s11 =	smov.u32 s17  }
.LBB1_1:
0x18: {  	p0 =	sge.u32 s12, s5  }
0x19: {  	s15 =	sand.u32 @!p0 $0x1FFFFFF, s10  }
0x1a: {  	s16 =	smulhi.u32 @!p0 $0x4924925, s15;
	_ =	sdelay $0x1  }
0x1b: {  	s16 =	smul.u32 @!p0 $0x38, s16  }
0x1c: {  	s17 =	sxor.u32 @!p0 $0xFFFFFFFF, s12;
	s18 =	smul.u32 @!p0 $0x380, s11  }
0x1d: {  	s31 =	sadd.s32 $0xFFFFFFFF, s12;
	s17 =	sshll.u32 @!p0 s17, $0xE;
	s15 =	ssub.s32 @!p0 s15, s16  }
0x1e: {  	s16 =	sand.u32 @!p0 $0x4000, s17;
	s17 =	sadd.s32 @!p0 s6, s18;
	s15 =	sshll.u32 @!p0 s15, $0x4  }
0x1f: {  	s18 =	simm.s32 @!p0 $0x1C00;
	s15 =	sadd.s32 @!p0 s15, s17;
	s17 =	simm.s32 @!p0 $0x100  }
0x20: {  	[tilespmem:s16], [sflag:$0x1] =	stream.strided.gather @!p0 [hbm4b:s15+s17], $0x4000, s18, s17, $0x38;
	[tilespmem:$0x10000] =	vst v63  }
0x21: {  	p0 =	sge.u32 s31, s5  }
.Ltmp2:
0x22: {  	_ = 	snop;
	(pc) =	sbr.rel @p0 .LBB1_7-.Ltmp2, $1  }
0x23: {  	_ =	sdelay $0x3  }
0x24: {  	_ =	swait.ge [sflag:s4], $0x4000;
	s15 =	sshll.u32 s12, $0xE  }
0x25: {  	[sflag:s4] =	ssyncset.done $0x0;
	s16 =	sand.u32 $0x4000, s15  }
0x26: {  	s17 =	simm.s32 $0x0;
	[sflag:s4] =	ssyncadd.s32 $0xFFFFC000;
	s15 =	sor.u32 $0x8000, s16  }
.LBB1_3:
0x27: {  	s18 =	sshll.u32 s17, $0x8  }
0x28: {  	s18 =	sand.u32 $0x3FFFFF00, s18  }
0x29: {  	s19 =	sshll.u32 s17, $0x7;
	s18 =	sadd.s32 s18, s16  }
0x2a: {  	s19 =	sand.u32 $0x3FFFFF80, s19;
	v0 =	vmov s18  }
0x2b: {  	s19 =	sadd.s32 s19, s15  }
0x2c: {  	p0 =	por $0x1, $0x1;
	v1 =	vmov s19;
	s18 =	simm.s32 $0x0  }
.LBB1_4:
0x2d: {  	s19 =	sshll.u32 s18, $0x7  }
0x2e: {  	s19 =	sand.u32 $0x3FFFFF80, s19  }
0x2f: {  	v2 =	vld.idx.msk [tilespmem:v0+s19+$0x0 ss:$0x1], $0xffff  }
0x30: {  	v3 =	vld.idx.msk [tilespmem:v0+s19+$0x10 ss:$0x1], $0xffff  }
0x31: {  	v4 =	vld.idx.msk [tilespmem:v0+s19+$0x20 ss:$0x1], $0xffff  }
0x32: {  	s31 =	sshll.u32 s18, $0xD;
	v5 =	vld.idx.msk [tilespmem:v0+s19+$0x30 ss:$0x1], $0xffff  }
0x33: {  	s18 =	sand.u32 $0x3FFFE000, s31;
	v6 =	vld.idx.msk [tilespmem:v0+s19+$0x40 ss:$0x1], $0xffff  }
0x34: {  	v63 =	vld.idx.msk [tilespmem:v0+s19+$0x70 ss:$0x1], $0xffff;
	[tilespmem:v1+s18+$0x0 ss:$0x1] =	vst.idx.msk $0xffff, v2  }
0x35: {  	v2 =	vld.idx.msk [tilespmem:v0+s19+$0x50 ss:$0x1], $0xffff;
	[tilespmem:v1+s18+$0x10 ss:$0x1] =	vst.idx.msk $0xffff, v3  }
0x36: {  	p1 =	por p0, p0;
	v3 =	vld.idx.msk [tilespmem:v0+s19+$0x60 ss:$0x1], $0xffff;
	[tilespmem:v1+s18+$0x20 ss:$0x1] =	vst.idx.msk $0xffff, v4  }
.Ltmp3:
0x37: {  	[tilespmem:v1+s18+$0x30 ss:$0x1] =	vst.idx.msk $0xffff, v5;
	(pc) =	sbr.rel @p1 .LBB1_4-.Ltmp3, $4  }
0x38: {  	[tilespmem:v1+s18+$0x40 ss:$0x1] =	vst.idx.msk $0xffff, v6  }
0x39: {  	[tilespmem:v1+s18+$0x70 ss:$0x1] =	vst.idx.msk $0xffff, v63  }
0x3a: {  	[tilespmem:v1+s18+$0x50 ss:$0x1] =	vst.idx.msk $0xffff, v2  }
0x3b: {  	p0 =	por $0x0, $0x0;
	[tilespmem:v1+s18+$0x60 ss:$0x1] =	vst.idx.msk $0xffff, v3;
	s18 =	simm.s32 $0x1  }
0x3c: {  	s17 =	sadd.s32 $0x1, s17  }
0x3d: {  	p0 =	sne.s32 s17, $0x40  }
.Ltmp4:
0x3e: {  	_ = 	snop;
	(pc) =	sbr.rel @p0 .LBB1_3-.Ltmp4, $1  }
0x3f: {  	_ =	sdelay $0x3  }
.Ltmp5:
0x40: {  	s14 =	sshll.u32 s14, $0x4;
	(pc) =	sbr.rel .LBB1_7-.Ltmp5, $4  }
0x41: {  	s14 =	sand.u32 $0xFFF0, s14  }
0x42: {  	s13 =	sshll.u32 s13, $0x10;
	s14 =	sadd.s32 s3, s14  }
0x43: {  	s13 =	sadd.s32 s13, s14  }
0x44: {  	[hbm4b:s13+s8] =	stream.strided.scatter [tilespmem:s15], [sflag:$0x2], $0x4000, s9, s8, $0x38;
	[tilespmem:$0x10000] =	vst v63  }
.LBB1_8:
0x45: {  	_ =	sfence.sel $0x180000  }
0x46: {  	s2 =	simm.s32 $0x1;
	[bflag:$0x0] =	sbarrier.arrive $0xFFFF  }
0x47: {  	s31 =	simm.s32 $0x2;
	[sflag:s2] =	ssyncpa.u1 $0x1  }
0x48: {  	[sflag:s31] =	ssyncpa.u1 $0x1  }
0x49: {  	p0 =	sne.s32 s0, $0x0;
	_ =	strace $0x9000004A  }
0x4a: {  	s0 =	sadd.s32 @!p0 $0x100000, s1;
	[bflag:$0x2] =	sbarrier.arrive $0xFFFF  }
0x4b: {  	[sflag:s0] =	ssyncadd.tile.s32 @!p0 $0x1;
	_ =	shalt  }
.Lfunc_end1:
_tile_overlayer_lowered:
.L_overlay_start_2:
0x4c: {  	(tag) =	ssettag $0x2  }
0x4d: {  	s0 =	rddreg [dreg:$0x0];
	s2 =	stileid.u32  }
0x4e: {  	s1 =	rddreg [dreg:$0x1];
	p0 =	sne.s32 s2, $0x0  }
0x4f: {  	s3 =	rddreg [dreg:$0x2];
	[bflag:$0x3] =	sbarrier.arrive $0xFFFF;
	s2 =	simm.s32 @!p0 $0x1C01  }
0x50: {  	[timem:s3], [sflag:s2] =	dma.local @!p0 [hbm:s0], s1  }
0x51: {  	s0 =	simm.s32 @!p0 $0x1  }
0x52: {  	_ =	swait.ge @!p0 [sflag:s0], s1  }
0x53: {  	s1 =	ssub.s32 @!p0 $0x0, s1;
	[sflag:s0] =	ssyncset.done @!p0 $0x0  }
0x54: {  	[sflag:s0] =	ssyncadd.s32 @!p0 s1  }
0x55: {  	[bflag:$0x3] =	sbarrier.arrive $0xFFFF  }
0x56: {  	_ =	shalt  }

</sc_bundles>
